<compile_context>
chip_gen: v7x
topology: tpu7x:2x2x1
jax: 0.10.2.dev20260603
libtpu: 0.0.44.dev20260713+nightly
codegen_flags: <defaults>
</compile_context>

<pallas_src>
import functools

import jax
import jax.numpy as jnp
from jax import lax
from jax.experimental import pallas as pl
from jax.experimental.pallas import tpu as pltpu
from jax.experimental.pallas import tpu_sc as plsc

C = 96
HP, WP = 256, 256
H, W = 512, 512
HWP = HP * WP
HW = H * W
N = C * HWP
QN = 4
QSIZE = HW // QN
QSH = 16
WIN = 24576
NC, NS = 2, 16
NWK = NC * NS
TASKS = C * QN
TPW = TASKS // NWK
OFFS_LEN = 400

_mesh = plsc.VectorSubcoreMesh(core_axis_name="c", subcore_axis_name="s")


def _lane_extract(vec, lane):
    sel = lax.broadcasted_iota(jnp.int32, (16,), 0) == lane
    return lax.reduce_max(jnp.where(sel, vec, jnp.int32(-1)), (0,))


@functools.partial(
    pl.kernel,
    out_type=jax.ShapeDtypeStruct((C * HW,), jnp.float32),
    mesh=_mesh,
    scratch_types=[
        pltpu.VMEM((QSIZE,), jnp.float32),
        pltpu.VMEM((WIN + 32,), jnp.int32),
        pltpu.VMEM((WIN,), jnp.float32),
        pltpu.VMEM((OFFS_LEN,), jnp.int32),
        pltpu.VMEM((32,), jnp.int32),
        pltpu.VMEM((16,), jnp.float32),
        pltpu.SemaphoreType.DMA,
        pltpu.SemaphoreType.DMA,
    ],
    compiler_params=pltpu.CompilerParams(needs_layout_passes=False),
)
def _unpool_sorted(sk_hbm, sv_hbm, offs_hbm, out_hbm,
                   plane_v, skb, svb, offs_v, tailk, tailv,
                   sem_sk, sem_sv):
    cid = lax.axis_index("c")
    sid = lax.axis_index("s")
    wid = sid * NC + cid

    pltpu.sync_copy(offs_hbm, offs_v)
    pltpu.sync_copy(sk_hbm.at[pl.ds(N - 16, 16)], tailk.at[pl.ds(0, 16)])
    pltpu.sync_copy(sv_hbm.at[pl.ds(N - 16, 16)], tailv)
    tailk[pl.ds(16, 16)] = jnp.full((16,), -1, jnp.int32)

    def seg_bounds(t):
        chunk_lo = offs_v[pl.ds((t // 16) * 16, 16)]
        s_raw = _lane_extract(chunk_lo, t % 16)
        t1 = t + 1
        chunk_hi = offs_v[pl.ds((t1 // 16) * 16, 16)]
        e_raw = _lane_extract(chunk_hi, t1 % 16)
        return (s_raw // 16) * 16, e_raw

    def win0_base(s):
        return pl.multiple_of(
            jnp.maximum(jnp.minimum(s, N - WIN - 16), 0), 16)

    def issue_win0(s):
        base0 = win0_base(s)
        pltpu.async_copy(sk_hbm.at[pl.ds(base0, WIN + 16)],
                         skb.at[pl.ds(0, WIN + 16)], sem_sk)
        pltpu.async_copy(sv_hbm.at[pl.ds(base0, WIN)], svb, sem_sv)

    s_first, e_first = seg_bounds(wid * TPW)
    issue_win0(s_first)

    def per_task(tl, carry):
        t = wid * TPW + tl
        s, e_raw = carry
        nwin = (e_raw - s + WIN - 1) // WIN

        def zbody(i, c):
            plane_v[pl.ds(i * 16, 16)] = jnp.zeros((16,), jnp.float32)
            return c

        lax.fori_loop(0, QSIZE // 16, zbody, 0, unroll=8)

        base0 = win0_base(s)
        pltpu.make_async_copy(sk_hbm.at[pl.ds(base0, WIN + 16)],
                              skb.at[pl.ds(0, WIN + 16)], sem_sk).wait()
        pltpu.make_async_copy(sv_hbm.at[pl.ds(base0, WIN)], svb, sem_sv).wait()

        def win_compute(c2):
            def ibody(j, c3):
                a = skb[pl.ds(j * 16, 16)]
                b = skb[pl.ds(j * 16 + 1, 16)]
                v = svb[pl.ds(j * 16, 16)]
                msk = (a != b) & ((a >> QSH) == t)
                plsc.store_scatter(plane_v, [a & (QSIZE - 1)], v, mask=msk)
                return c3

            return lax.fori_loop(0, WIN // 16, ibody, c2)

        @pl.when(nwin >= 1)
        def _():
            win_compute(0)

        def wbody(w, c):
            base = pl.multiple_of(
                jnp.maximum(jnp.minimum(s + w * WIN, N - WIN - 16), 0), 16)
            pltpu.sync_copy(sk_hbm.at[pl.ds(base, WIN + 16)],
                            skb.at[pl.ds(0, WIN + 16)])
            pltpu.sync_copy(sv_hbm.at[pl.ds(base, WIN)], svb)
            return win_compute(c)

        lax.fori_loop(1, nwin, wbody, 0)

        a = tailk[pl.ds(0, 16)]
        b = tailk[pl.ds(1, 16)]
        v = tailv[pl.ds(0, 16)]
        msk = (a != b) & ((a >> QSH) == t)
        plsc.store_scatter(plane_v, [a & (QSIZE - 1)], v, mask=msk)

        s_nxt, e_nxt = seg_bounds(t + 1)
        issue_win0(s_nxt)

        pltpu.sync_copy(plane_v, out_hbm.at[pl.ds(t * QSIZE, QSIZE)])
        return (s_nxt, e_nxt)

    s_last, e_last = lax.fori_loop(0, TPW, per_task, (s_first, e_first))

    base_l = win0_base(s_last)
    pltpu.make_async_copy(sk_hbm.at[pl.ds(base_l, WIN + 16)],
                          skb.at[pl.ds(0, WIN + 16)], sem_sk).wait()
    pltpu.make_async_copy(sv_hbm.at[pl.ds(base_l, WIN)], svb, sem_sv).wait()


def kernel(x, switches):
    sw = switches.reshape(C, HWP)
    keys = (sw + (jnp.arange(C, dtype=sw.dtype) * HW)[:, None]).reshape(N)
    vals = x.reshape(N)
    sk, sv = lax.sort((keys, vals), num_keys=1, is_stable=False)
    bounds = jnp.arange(TASKS + 1, dtype=jnp.int32) * QSIZE
    offs = jnp.searchsorted(sk, bounds).astype(jnp.int32)
    offs = jnp.concatenate(
        [offs, jnp.full((OFFS_LEN - TASKS - 1,), N, jnp.int32)])
    out = _unpool_sorted(sk, sv, offs)
    return out.reshape(1, C, H, W)

# --- scband reference (transcript-rebuilt; emitter-appended) ---
"""Pipeline reference for scband-reverse-max-pool2d-64604898066762 (READ-ONLY COPY).

The authoritative reference and input builder live on the scoring server;
editing this copy changes nothing except your own understanding.
"""

import jax, jax.numpy as jnp
import numpy as np

C = 96
H = 512
W = 512
HP = 256
WP = 256


def setup_inputs(seed: int = 0) -> dict:
    key = jax.random.key(seed)
    k1, k2 = jax.random.split(key)
    x = jax.random.normal(k1, (1, C, HP, WP), dtype=jnp.float32)
    # switches: flat spatial indices into the (H, W) pre-pool feature map,
    # one per pooled output element (the 'argmax switches' of MaxPool2d)
    switches = jax.random.randint(k2, (1, C, HP, WP), 0, H * W, dtype=jnp.int32)
    return {"x": x, "switches": switches}


def reference(x, switches):
    # Faithful translation of ReverseMaxPool2d.forward:
    #   output_shape = pre_pool_shapes[layer_index] = (1, C, H, W)
    #   new_indices[0, i, :, :] = i  (channel index map)
    #   r, c = np.unravel_index(switches, (H, W))
    #   unpooled[0, new_indices, r, c] = x   (scatter-overwrite)
    idx = switches
    r = idx // W
    c = idx % W
    ch = jnp.broadcast_to(jnp.arange(C, dtype=idx.dtype).reshape(1, C, 1, 1), idx.shape)
    out = jnp.zeros((1, C, H, W), dtype=x.dtype)
    out = out.at[0, ch, r, c].set(x)
    return out

if __name__ == "__main__":
    import jax
    _d = setup_inputs()
    print(jax.jit(kernel)(*tuple(_d.values())))

</pallas_src>

<mosaic_0001>
#map = affine_map<(d0, d1) -> (0)>
module attributes {stable_mosaic.version = 14 : i64} {
  func.func @_unpool_sorted(%arg0: i32, %arg1: i32, %arg2: memref<6291456xi32, #tpu.memory_space<hbm>>, %arg3: memref<6291456xf32, #tpu.memory_space<hbm>>, %arg4: memref<400xi32, #tpu.memory_space<hbm>>, %arg5: memref<25165824xf32, #tpu.memory_space<hbm>>, %arg6: memref<65536xf32, #tpu.memory_space<vmem>>, %arg7: memref<24608xi32, #tpu.memory_space<vmem>>, %arg8: memref<24576xf32, #tpu.memory_space<vmem>>, %arg9: memref<400xi32, #tpu.memory_space<vmem>>, %arg10: memref<32xi32, #tpu.memory_space<vmem>>, %arg11: memref<16xf32, #tpu.memory_space<vmem>>, %arg12: memref<!tpu.dma_semaphore, #tpu.memory_space<semaphore_mem>>, %arg13: memref<!tpu.dma_semaphore, #tpu.memory_space<semaphore_mem>>) attributes {dimension_semantics = [#tpu.dimension_semantics<core_parallel>, #tpu.dimension_semantics<subcore_parallel>], iteration_bounds = array<i64: 2, 16>, scalar_prefetch = 0 : i64, scratch_operands = 8 : i64, tpu.core_type = #tpu.core_type<sc_vector_subcore>, window_params = [{transform_indices = #map}, {transform_indices = #map}, {transform_indices = #map}, {transform_indices = #map}]} {
    %mul3A = arith.constant 2 : i32
    %mul3A_0 = arith.muli %arg1, %mul3A : i32
    %add3A = arith.addi %mul3A_0, %arg0 : i32
    "tpu.region"() ({
      %run_scoped3A = tpu.sem_alloc : memref<!tpu.dma_semaphore, #tpu.memory_space<semaphore_mem>>
      tpu.enqueue_dma source(%arg4 : memref<400xi32, #tpu.memory_space<hbm>>) target(%arg9 : memref<400xi32, #tpu.memory_space<vmem>>) target_semaphore(%run_scoped3A : memref<!tpu.dma_semaphore, #tpu.memory_space<semaphore_mem>>)
      tpu.wait_dma2 semaphore(%run_scoped3A : memref<!tpu.dma_semaphore, #tpu.memory_space<semaphore_mem>>) src(%arg4 : memref<400xi32, #tpu.memory_space<hbm>>) dst(%arg9 : memref<400xi32, #tpu.memory_space<vmem>>)
      tpu.yield
    }) : () -> ()
    "tpu.region"() ({
      %run_scoped3A = tpu.sem_alloc : memref<!tpu.dma_semaphore, #tpu.memory_space<semaphore_mem>>
      %dma_start3A_162 = arith.constant 0 : i32
      %dma_start3A_163 = tpu.memref_slice %arg10[%dma_start3A_162] : memref<32xi32, #tpu.memory_space<vmem>> -> memref<16xi32, #tpu.memory_space<vmem>>
      %dma_start3A_164 = arith.constant 6291440 : i32
      %dma_start3A_165 = tpu.memref_slice %arg2[%dma_start3A_164] : memref<6291456xi32, #tpu.memory_space<hbm>> -> memref<16xi32, #tpu.memory_space<hbm>>
      %dma_start3A_166 = arith.constant 0 : i32
      %dma_start3A_167 = tpu.memref_slice %arg10[%dma_start3A_166] : memref<32xi32, #tpu.memory_space<vmem>> -> memref<16xi32, #tpu.memory_space<vmem>>
      %dma_start3A_168 = arith.constant 6291440 : i32
      %dma_start3A_169 = tpu.memref_slice %arg2[%dma_start3A_168] : memref<6291456xi32, #tpu.memory_space<hbm>> -> memref<16xi32, #tpu.memory_space<hbm>>
      tpu.enqueue_dma source(%dma_start3A_169 : memref<16xi32, #tpu.memory_space<hbm>>) target(%dma_start3A_167 : memref<16xi32, #tpu.memory_space<vmem>>) target_semaphore(%run_scoped3A : memref<!tpu.dma_semaphore, #tpu.memory_space<semaphore_mem>>)
      %dma_wait3A_170 = arith.constant 0 : i32
      %dma_wait3A_171 = tpu.memref_slice %arg10[%dma_wait3A_170] : memref<32xi32, #tpu.memory_space<vmem>> -> memref<16xi32, #tpu.memory_space<vmem>>
      %dma_wait3A_172 = arith.constant 6291440 : i32
      %dma_wait3A_173 = tpu.memref_slice %arg2[%dma_wait3A_172] : memref<6291456xi32, #tpu.memory_space<hbm>> -> memref<16xi32, #tpu.memory_space<hbm>>
      %dma_wait3A_174 = arith.constant 0 : i32
      %dma_wait3A_175 = tpu.memref_slice %arg10[%dma_wait3A_174] : memref<32xi32, #tpu.memory_space<vmem>> -> memref<16xi32, #tpu.memory_space<vmem>>
      %dma_wait3A_176 = arith.constant 6291440 : i32
      %dma_wait3A_177 = tpu.memref_slice %arg2[%dma_wait3A_176] : memref<6291456xi32, #tpu.memory_space<hbm>> -> memref<16xi32, #tpu.memory_space<hbm>>
      tpu.wait_dma2 semaphore(%run_scoped3A : memref<!tpu.dma_semaphore, #tpu.memory_space<semaphore_mem>>) src(%dma_wait3A_177 : memref<16xi32, #tpu.memory_space<hbm>>) dst(%dma_wait3A_175 : memref<16xi32, #tpu.memory_space<vmem>>)
      tpu.yield
    }) : () -> ()
    "tpu.region"() ({
      %run_scoped3A = tpu.sem_alloc : memref<!tpu.dma_semaphore, #tpu.memory_space<semaphore_mem>>
      %dma_start3A_162 = arith.constant 6291440 : i32
      %dma_start3A_163 = tpu.memref_slice %arg3[%dma_start3A_162] : memref<6291456xf32, #tpu.memory_space<hbm>> -> memref<16xf32, #tpu.memory_space<hbm>>
      %dma_start3A_164 = arith.constant 6291440 : i32
      %dma_start3A_165 = tpu.memref_slice %arg3[%dma_start3A_164] : memref<6291456xf32, #tpu.memory_space<hbm>> -> memref<16xf32, #tpu.memory_space<hbm>>
      tpu.enqueue_dma source(%dma_start3A_165 : memref<16xf32, #tpu.memory_space<hbm>>) target(%arg11 : memref<16xf32, #tpu.memory_space<vmem>>) target_semaphore(%run_scoped3A : memref<!tpu.dma_semaphore, #tpu.memory_space<semaphore_mem>>)
      %dma_wait3A_166 = arith.constant 6291440 : i32
      %dma_wait3A_167 = tpu.memref_slice %arg3[%dma_wait3A_166] : memref<6291456xf32, #tpu.memory_space<hbm>> -> memref<16xf32, #tpu.memory_space<hbm>>
      %dma_wait3A_168 = arith.constant 6291440 : i32
      %dma_wait3A_169 = tpu.memref_slice %arg3[%dma_wait3A_168] : memref<6291456xf32, #tpu.memory_space<hbm>> -> memref<16xf32, #tpu.memory_space<hbm>>
      tpu.wait_dma2 semaphore(%run_scoped3A : memref<!tpu.dma_semaphore, #tpu.memory_space<semaphore_mem>>) src(%dma_wait3A_169 : memref<16xf32, #tpu.memory_space<hbm>>) dst(%arg11 : memref<16xf32, #tpu.memory_space<vmem>>)
      tpu.yield
    }) : () -> ()
    %broadcast_in_dim3A = arith.constant -1 : i32
    %broadcast_in_dim3A_1 = vector.broadcast %broadcast_in_dim3A : i32 to vector<16xi32>
    %swap3A = arith.constant 16 : index
    %swap3A_2 = tpu.vector_load %arg10[%swap3A] {strides = array<i32>} : memref<32xi32, #tpu.memory_space<vmem>>, vector<16xi32>,
    tpu.vector_store %arg10[%swap3A], %broadcast_in_dim3A_1 {strides = array<i32>} : memref<32xi32, #tpu.memory_space<vmem>>, vector<16xi32>,
    %mul3A_3 = arith.constant 12 : i32
    %mul3A_4 = arith.muli %add3A, %mul3A_3 : i32
    %jit3A = arith.constant 16 : i32
    %div3A = arith.divsi %mul3A_4, %jit3A : i32
    %sign3A = arith.constant 0 : i32
    %sign3A_5 = arith.cmpi sgt, %mul3A_4, %sign3A : i32
    %sign3A_6 = arith.extui %sign3A_5 : i1 to i32
    %sign3A_7 = arith.constant 0 : i32
    %sign3A_8 = arith.cmpi slt, %mul3A_4, %sign3A_7 : i32
    %sign3A_9 = arith.extui %sign3A_8 : i1 to i32
    %sign3A_10 = arith.subi %sign3A_6, %sign3A_9 : i32
    %sign3A_11 = arith.constant 0 : i32
    %sign3A_12 = arith.cmpi sgt, %jit3A, %sign3A_11 : i32
    %sign3A_13 = arith.extui %sign3A_12 : i1 to i32
    %sign3A_14 = arith.constant 0 : i32
    %sign3A_15 = arith.cmpi slt, %jit3A, %sign3A_14 : i32
    %sign3A_16 = arith.extui %sign3A_15 : i1 to i32
    %sign3A_17 = arith.subi %sign3A_13, %sign3A_16 : i32
    %ne3A = arith.cmpi ne, %sign3A_10, %sign3A_17 : i32
    %rem3A = arith.remsi %mul3A_4, %jit3A : i32
    %ne3A_18 = arith.constant 0 : i32
    %ne3A_19 = arith.cmpi ne, %rem3A, %ne3A_18 : i32
    %and3A = arith.andi %ne3A, %ne3A_19 : i1
    %sub3A = arith.constant 1 : i32
    %sub3A_20 = arith.subi %div3A, %sub3A : i32
    %select_n3A = arith.select %and3A, %sub3A_20, %div3A : i32
    %mul3A_21 = arith.constant 16 : i32
    %mul3A_22 = arith.muli %select_n3A, %mul3A_21 : i32
    %get3A = arith.index_cast %mul3A_22 : i32 to index
    %get3A_23 = tpu.vector_load %arg9[%get3A] {strides = array<i32>} : memref<400xi32, #tpu.memory_space<vmem>>, vector<16xi32>,
    %jit3A_24 = arith.constant 16 : i32
    %eq3A = arith.constant 0 : i32
    %eq3A_25 = arith.cmpi eq, %jit3A_24, %eq3A : i32
    %jit3A_26 = arith.constant 1 : i32
    %select_n3A_27 = arith.select %eq3A_25, %jit3A_26, %jit3A_24 : i32
    %rem3A_28 = arith.remsi %mul3A_4, %select_n3A_27 : i32
    %ne3A_29 = arith.constant 0 : i32
    %ne3A_30 = arith.cmpi ne, %rem3A_28, %ne3A_29 : i32
    %lt3A = arith.constant 0 : i32
    %lt3A_31 = arith.cmpi slt, %rem3A_28, %lt3A : i32
    %lt3A_32 = arith.constant 0 : i32
    %lt3A_33 = arith.cmpi slt, %select_n3A_27, %lt3A_32 : i32
    %ne3A_34 = arith.xori %lt3A_31, %lt3A_33 : i1
    %and3A_35 = arith.andi %ne3A_34, %ne3A_30 : i1
    %add3A_36 = arith.addi %rem3A_28, %select_n3A_27 : i32
    %select_n3A_37 = arith.select %and3A_35, %add3A_36, %rem3A_28 : i32
    %iota3A = tpu.iota {dimensions = array<i32: 0>} : vector<16xi32>
    %eq3A_38 = vector.broadcast %select_n3A_37 : i32 to vector<16xi32>
    %eq3A_39 = arith.cmpi eq, %iota3A, %eq3A_38 : vector<16xi32>
    %jit3A_40 = arith.constant -1 : i32
    %broadcast_in_dim3A_41 = vector.broadcast %jit3A_40 : i32 to vector<16xi32>
    %select_n3A_42 = arith.select %eq3A_39, %get3A_23, %broadcast_in_dim3A_41 : vector<16xi1>, vector<16xi32>
    %reduce_max3A = arith.constant true
    %reduce_max3A_43 = vector.broadcast %reduce_max3A : i1 to vector<16xi1>
    %reduce_max3A_44 = arith.constant -2147483648 : i32
    %reduce_max3A_45 = vector.broadcast %reduce_max3A_44 : i32 to vector<16xi32>
    %reduce_max3A_46 = arith.xori %select_n3A_42, %reduce_max3A_45 : vector<16xi32>
    %reduce_max3A_47 = tpu.scan <max>, %reduce_max3A_46 masked %reduce_max3A_43 : vector<16xi32>, vector<16xi1> -> vector<16xi32>
    %reduce_max3A_48 = arith.xori %reduce_max3A_47, %reduce_max3A_45 : vector<16xi32>
    %reduce_max3A_49 = vector.extract %reduce_max3A_48[15] : i32 from vector<16xi32>
    %add3A_50 = arith.constant 1 : i32
    %add3A_51 = arith.addi %mul3A_4, %add3A_50 : i32
    %jit3A_52 = arith.constant 16 : i32
    %div3A_53 = arith.divsi %add3A_51, %jit3A_52 : i32
    %sign3A_54 = arith.constant 0 : i32
    %sign3A_55 = arith.cmpi sgt, %add3A_51, %sign3A_54 : i32
    %sign3A_56 = arith.extui %sign3A_55 : i1 to i32
    %sign3A_57 = arith.constant 0 : i32
    %sign3A_58 = arith.cmpi slt, %add3A_51, %sign3A_57 : i32
    %sign3A_59 = arith.extui %sign3A_58 : i1 to i32
    %sign3A_60 = arith.subi %sign3A_56, %sign3A_59 : i32
    %sign3A_61 = arith.constant 0 : i32
    %sign3A_62 = arith.cmpi sgt, %jit3A_52, %sign3A_61 : i32
    %sign3A_63 = arith.extui %sign3A_62 : i1 to i32
    %sign3A_64 = arith.constant 0 : i32
    %sign3A_65 = arith.cmpi slt, %jit3A_52, %sign3A_64 : i32
    %sign3A_66 = arith.extui %sign3A_65 : i1 to i32
    %sign3A_67 = arith.subi %sign3A_63, %sign3A_66 : i32
    %ne3A_68 = arith.cmpi ne, %sign3A_60, %sign3A_67 : i32
    %rem3A_69 = arith.remsi %add3A_51, %jit3A_52 : i32
    %ne3A_70 = arith.constant 0 : i32
    %ne3A_71 = arith.cmpi ne, %rem3A_69, %ne3A_70 : i32
    %and3A_72 = arith.andi %ne3A_68, %ne3A_71 : i1
    %sub3A_73 = arith.constant 1 : i32
    %sub3A_74 = arith.subi %div3A_53, %sub3A_73 : i32
    %select_n3A_75 = arith.select %and3A_72, %sub3A_74, %div3A_53 : i32
    %mul3A_76 = arith.constant 16 : i32
    %mul3A_77 = arith.muli %select_n3A_75, %mul3A_76 : i32
    %get3A_78 = arith.index_cast %mul3A_77 : i32 to index
    %get3A_79 = tpu.vector_load %arg9[%get3A_78] {strides = array<i32>} : memref<400xi32, #tpu.memory_space<vmem>>, vector<16xi32>,
    %jit3A_80 = arith.constant 16 : i32
    %eq3A_81 = arith.constant 0 : i32
    %eq3A_82 = arith.cmpi eq, %jit3A_80, %eq3A_81 : i32
    %jit3A_83 = arith.constant 1 : i32
    %select_n3A_84 = arith.select %eq3A_82, %jit3A_83, %jit3A_80 : i32
    %rem3A_85 = arith.remsi %add3A_51, %select_n3A_84 : i32
    %ne3A_86 = arith.constant 0 : i32
    %ne3A_87 = arith.cmpi ne, %rem3A_85, %ne3A_86 : i32
    %lt3A_88 = arith.constant 0 : i32
    %lt3A_89 = arith.cmpi slt, %rem3A_85, %lt3A_88 : i32
    %lt3A_90 = arith.constant 0 : i32
    %lt3A_91 = arith.cmpi slt, %select_n3A_84, %lt3A_90 : i32
    %ne3A_92 = arith.xori %lt3A_89, %lt3A_91 : i1
    %and3A_93 = arith.andi %ne3A_92, %ne3A_87 : i1
    %add3A_94 = arith.addi %rem3A_85, %select_n3A_84 : i32
    %select_n3A_95 = arith.select %and3A_93, %add3A_94, %rem3A_85 : i32
    %iota3A_96 = tpu.iota {dimensions = array<i32: 0>} : vector<16xi32>
    %eq3A_97 = vector.broadcast %select_n3A_95 : i32 to vector<16xi32>
    %eq3A_98 = arith.cmpi eq, %iota3A_96, %eq3A_97 : vector<16xi32>
    %jit3A_99 = arith.constant -1 : i32
    %broadcast_in_dim3A_100 = vector.broadcast %jit3A_99 : i32 to vector<16xi32>
    %select_n3A_101 = arith.select %eq3A_98, %get3A_79, %broadcast_in_dim3A_100 : vector<16xi1>, vector<16xi32>
    %reduce_max3A_102 = arith.constant true
    %reduce_max3A_103 = vector.broadcast %reduce_max3A_102 : i1 to vector<16xi1>
    %reduce_max3A_104 = arith.constant -2147483648 : i32
    %reduce_max3A_105 = vector.broadcast %reduce_max3A_104 : i32 to vector<16xi32>
    %reduce_max3A_106 = arith.xori %select_n3A_101, %reduce_max3A_105 : vector<16xi32>
    %reduce_max3A_107 = tpu.scan <max>, %reduce_max3A_106 masked %reduce_max3A_103 : vector<16xi32>, vector<16xi1> -> vector<16xi32>
    %reduce_max3A_108 = arith.xori %reduce_max3A_107, %reduce_max3A_105 : vector<16xi32>
    %reduce_max3A_109 = vector.extract %reduce_max3A_108[15] : i32 from vector<16xi32>
    %jit3A_110 = arith.constant 16 : i32
    %div3A_111 = arith.divsi %reduce_max3A_49, %jit3A_110 : i32
    %sign3A_112 = arith.constant 0 : i32
    %sign3A_113 = arith.cmpi sgt, %reduce_max3A_49, %sign3A_112 : i32
    %sign3A_114 = arith.extui %sign3A_113 : i1 to i32
    %sign3A_115 = arith.constant 0 : i32
    %sign3A_116 = arith.cmpi slt, %reduce_max3A_49, %sign3A_115 : i32
    %sign3A_117 = arith.extui %sign3A_116 : i1 to i32
    %sign3A_118 = arith.subi %sign3A_114, %sign3A_117 : i32
    %sign3A_119 = arith.constant 0 : i32
    %sign3A_120 = arith.cmpi sgt, %jit3A_110, %sign3A_119 : i32
    %sign3A_121 = arith.extui %sign3A_120 : i1 to i32
    %sign3A_122 = arith.constant 0 : i32
    %sign3A_123 = arith.cmpi slt, %jit3A_110, %sign3A_122 : i32
    %sign3A_124 = arith.extui %sign3A_123 : i1 to i32
    %sign3A_125 = arith.subi %sign3A_121, %sign3A_124 : i32
    %ne3A_126 = arith.cmpi ne, %sign3A_118, %sign3A_125 : i32
    %rem3A_127 = arith.remsi %reduce_max3A_49, %jit3A_110 : i32
    %ne3A_128 = arith.constant 0 : i32
    %ne3A_129 = arith.cmpi ne, %rem3A_127, %ne3A_128 : i32
    %and3A_130 = arith.andi %ne3A_126, %ne3A_129 : i1
    %sub3A_131 = arith.constant 1 : i32
    %sub3A_132 = arith.subi %div3A_111, %sub3A_131 : i32
    %select_n3A_133 = arith.select %and3A_130, %sub3A_132, %div3A_111 : i32
    %mul3A_134 = arith.constant 16 : i32
    %mul3A_135 = arith.muli %select_n3A_133, %mul3A_134 : i32
    %min3A = arith.constant 6266864 : i32
    %min3A_136 = arith.minsi %mul3A_135, %min3A : i32
    %max3A = arith.constant 0 : i32
    %max3A_137 = arith.maxsi %min3A_136, %max3A : i32
    %multiple_of3A = tpu.assume_multiple %max3A_137, 16 : i32
    %dma_start3A = arith.constant 0 : i32
    %dma_start3A_138 = tpu.memref_slice %arg7[%dma_start3A] : memref<24608xi32, #tpu.memory_space<vmem>> -> memref<24592xi32, #tpu.memory_space<vmem>>
    %dma_start3A_139 = tpu.memref_slice %arg2[%multiple_of3A] : memref<6291456xi32, #tpu.memory_space<hbm>> -> memref<24592xi32, #tpu.memory_space<hbm>>
    %dma_start3A_140 = arith.constant 0 : i32
    %dma_start3A_141 = tpu.memref_slice %arg7[%dma_start3A_140] : memref<24608xi32, #tpu.memory_space<vmem>> -> memref<24592xi32, #tpu.memory_space<vmem>>
    %dma_start3A_142 = tpu.memref_slice %arg2[%multiple_of3A] : memref<6291456xi32, #tpu.memory_space<hbm>> -> memref<24592xi32, #tpu.memory_space<hbm>>
    tpu.enqueue_dma source(%dma_start3A_142 : memref<24592xi32, #tpu.memory_space<hbm>>) target(%dma_start3A_141 : memref<24592xi32, #tpu.memory_space<vmem>>) target_semaphore(%arg12 : memref<!tpu.dma_semaphore, #tpu.memory_space<semaphore_mem>>)
    %dma_start3A_143 = tpu.memref_slice %arg3[%multiple_of3A] : memref<6291456xf32, #tpu.memory_space<hbm>> -> memref<24576xf32, #tpu.memory_space<hbm>>
    %dma_start3A_144 = tpu.memref_slice %arg3[%multiple_of3A] : memref<6291456xf32, #tpu.memory_space<hbm>> -> memref<24576xf32, #tpu.memory_space<hbm>>
    tpu.enqueue_dma source(%dma_start3A_144 : memref<24576xf32, #tpu.memory_space<hbm>>) target(%arg8 : memref<24576xf32, #tpu.memory_space<vmem>>) target_semaphore(%arg13 : memref<!tpu.dma_semaphore, #tpu.memory_space<semaphore_mem>>)
    %scan3A = arith.constant 0 : i32
    %scan3A_145 = arith.constant 12 : i32
    %scan3A_146 = arith.addi %scan3A, %scan3A_145 : i32
    %scan3A_147 = arith.constant 1 : i32
    %scan3A_148:2 = scf.for %scan3A_162 = %scan3A to %scan3A_146 step %scan3A_147 iter_args(%scan3A_163 = %mul3A_135, %scan3A_164 = %reduce_max3A_109) -> (i32, i32)  : i32 {
      %mul3A_165 = arith.constant 12 : i32
      %mul3A_166 = arith.muli %add3A, %mul3A_165 : i32
      %add3A_167 = arith.addi %mul3A_166, %scan3A_162 : i32
      %sub3A_168 = arith.subi %scan3A_164, %scan3A_163 : i32
      %add3A_169 = arith.constant 24576 : i32
      %add3A_170 = arith.addi %sub3A_168, %add3A_169 : i32
      %sub3A_171 = arith.constant 1 : i32
      %sub3A_172 = arith.subi %add3A_170, %sub3A_171 : i32
      %jit3A_173 = arith.constant 24576 : i32
      %div3A_174 = arith.divsi %sub3A_172, %jit3A_173 : i32
      %sign3A_175 = arith.constant 0 : i32
      %sign3A_176 = arith.cmpi sgt, %sub3A_172, %sign3A_175 : i32
      %sign3A_177 = arith.extui %sign3A_176 : i1 to i32
      %sign3A_178 = arith.constant 0 : i32
      %sign3A_179 = arith.cmpi slt, %sub3A_172, %sign3A_178 : i32
      %sign3A_180 = arith.extui %sign3A_179 : i1 to i32
      %sign3A_181 = arith.subi %sign3A_177, %sign3A_180 : i32
      %sign3A_182 = arith.constant 0 : i32
      %sign3A_183 = arith.cmpi sgt, %jit3A_173, %sign3A_182 : i32
      %sign3A_184 = arith.extui %sign3A_183 : i1 to i32
      %sign3A_185 = arith.constant 0 : i32
      %sign3A_186 = arith.cmpi slt, %jit3A_173, %sign3A_185 : i32
      %sign3A_187 = arith.extui %sign3A_186 : i1 to i32
      %sign3A_188 = arith.subi %sign3A_184, %sign3A_187 : i32
      %ne3A_189 = arith.cmpi ne, %sign3A_181, %sign3A_188 : i32
      %rem3A_190 = arith.remsi %sub3A_172, %jit3A_173 : i32
      %ne3A_191 = arith.constant 0 : i32
      %ne3A_192 = arith.cmpi ne, %rem3A_190, %ne3A_191 : i32
      %and3A_193 = arith.andi %ne3A_189, %ne3A_192 : i1
      %sub3A_194 = arith.constant 1 : i32
      %sub3A_195 = arith.subi %div3A_174, %sub3A_194 : i32
      %select_n3A_196 = arith.select %and3A_193, %sub3A_195, %div3A_174 : i32
      %scan3A_197 = arith.constant 0 : i32
      %scan3A_198 = arith.constant 0 : i32
      %scan3A_199 = arith.constant 4096 : i32
      %scan3A_200 = arith.addi %scan3A_198, %scan3A_199 : i32
      %scan3A_201 = arith.constant 8 : i32
      scf.for %scan3A_403 = %scan3A_198 to %scan3A_200 step %scan3A_201  : i32 {
        %broadcast_in_dim3A_404 = arith.constant 0.000000e+00 : f32
        %broadcast_in_dim3A_405 = vector.broadcast %broadcast_in_dim3A_404 : f32 to vector<16xf32>
        %mul3A_406 = arith.constant 16 : i32
        %mul3A_407 = arith.muli %scan3A_403, %mul3A_406 : i32
        %swap3A_408 = arith.index_cast %mul3A_407 : i32 to index
        %swap3A_409 = tpu.vector_load %arg6[%swap3A_408] {strides = array<i32>} : memref<65536xf32, #tpu.memory_space<vmem>>, vector<16xf32>,
        tpu.vector_store %arg6[%swap3A_408], %broadcast_in_dim3A_405 {strides = array<i32>} : memref<65536xf32, #tpu.memory_space<vmem>>, vector<16xf32>,
        %scan3A_410 = arith.constant 1 : i32
        %scan3A_411 = arith.addi %scan3A_403, %scan3A_410 : i32
        %broadcast_in_dim3A_412 = arith.constant 0.000000e+00 : f32
        %broadcast_in_dim3A_413 = vector.broadcast %broadcast_in_dim3A_412 : f32 to vector<16xf32>
        %mul3A_414 = arith.constant 16 : i32
        %mul3A_415 = arith.muli %scan3A_411, %mul3A_414 : i32
        %swap3A_416 = arith.index_cast %mul3A_415 : i32 to index
        %swap3A_417 = tpu.vector_load %arg6[%swap3A_416] {strides = array<i32>} : memref<65536xf32, #tpu.memory_space<vmem>>, vector<16xf32>,
        tpu.vector_store %arg6[%swap3A_416], %broadcast_in_dim3A_413 {strides = array<i32>} : memref<65536xf32, #tpu.memory_space<vmem>>, vector<16xf32>,
        %scan3A_418 = arith.constant 2 : i32
        %scan3A_419 = arith.addi %scan3A_403, %scan3A_418 : i32
        %broadcast_in_dim3A_420 = arith.constant 0.000000e+00 : f32
        %broadcast_in_dim3A_421 = vector.broadcast %broadcast_in_dim3A_420 : f32 to vector<16xf32>
        %mul3A_422 = arith.constant 16 : i32
        %mul3A_423 = arith.muli %scan3A_419, %mul3A_422 : i32
        %swap3A_424 = arith.index_cast %mul3A_423 : i32 to index
        %swap3A_425 = tpu.vector_load %arg6[%swap3A_424] {strides = array<i32>} : memref<65536xf32, #tpu.memory_space<vmem>>, vector<16xf32>,
        tpu.vector_store %arg6[%swap3A_424], %broadcast_in_dim3A_421 {strides = array<i32>} : memref<65536xf32, #tpu.memory_space<vmem>>, vector<16xf32>,
        %scan3A_426 = arith.constant 3 : i32
        %scan3A_427 = arith.addi %scan3A_403, %scan3A_426 : i32
        %broadcast_in_dim3A_428 = arith.constant 0.000000e+00 : f32
        %broadcast_in_dim3A_429 = vector.broadcast %broadcast_in_dim3A_428 : f32 to vector<16xf32>
        %mul3A_430 = arith.constant 16 : i32
        %mul3A_431 = arith.muli %scan3A_427, %mul3A_430 : i32
        %swap3A_432 = arith.index_cast %mul3A_431 : i32 to index
        %swap3A_433 = tpu.vector_load %arg6[%swap3A_432] {strides = array<i32>} : memref<65536xf32, #tpu.memory_space<vmem>>, vector<16xf32>,
        tpu.vector_store %arg6[%swap3A_432], %broadcast_in_dim3A_429 {strides = array<i32>} : memref<65536xf32, #tpu.memory_space<vmem>>, vector<16xf32>,
        %scan3A_434 = arith.constant 4 : i32
        %scan3A_435 = arith.addi %scan3A_403, %scan3A_434 : i32
        %broadcast_in_dim3A_436 = arith.constant 0.000000e+00 : f32
        %broadcast_in_dim3A_437 = vector.broadcast %broadcast_in_dim3A_436 : f32 to vector<16xf32>
        %mul3A_438 = arith.constant 16 : i32
        %mul3A_439 = arith.muli %scan3A_435, %mul3A_438 : i32
        %swap3A_440 = arith.index_cast %mul3A_439 : i32 to index
        %swap3A_441 = tpu.vector_load %arg6[%swap3A_440] {strides = array<i32>} : memref<65536xf32, #tpu.memory_space<vmem>>, vector<16xf32>,
        tpu.vector_store %arg6[%swap3A_440], %broadcast_in_dim3A_437 {strides = array<i32>} : memref<65536xf32, #tpu.memory_space<vmem>>, vector<16xf32>,
        %scan3A_442 = arith.constant 5 : i32
        %scan3A_443 = arith.addi %scan3A_403, %scan3A_442 : i32
        %broadcast_in_dim3A_444 = arith.constant 0.000000e+00 : f32
        %broadcast_in_dim3A_445 = vector.broadcast %broadcast_in_dim3A_444 : f32 to vector<16xf32>
        %mul3A_446 = arith.constant 16 : i32
        %mul3A_447 = arith.muli %scan3A_443, %mul3A_446 : i32
        %swap3A_448 = arith.index_cast %mul3A_447 : i32 to index
        %swap3A_449 = tpu.vector_load %arg6[%swap3A_448] {strides = array<i32>} : memref<65536xf32, #tpu.memory_space<vmem>>, vector<16xf32>,
        tpu.vector_store %arg6[%swap3A_448], %broadcast_in_dim3A_445 {strides = array<i32>} : memref<65536xf32, #tpu.memory_space<vmem>>, vector<16xf32>,
        %scan3A_450 = arith.constant 6 : i32
        %scan3A_451 = arith.addi %scan3A_403, %scan3A_450 : i32
        %broadcast_in_dim3A_452 = arith.constant 0.000000e+00 : f32
        %broadcast_in_dim3A_453 = vector.broadcast %broadcast_in_dim3A_452 : f32 to vector<16xf32>
        %mul3A_454 = arith.constant 16 : i32
        %mul3A_455 = arith.muli %scan3A_451, %mul3A_454 : i32
        %swap3A_456 = arith.index_cast %mul3A_455 : i32 to index
        %swap3A_457 = tpu.vector_load %arg6[%swap3A_456] {strides = array<i32>} : memref<65536xf32, #tpu.memory_space<vmem>>, vector<16xf32>,
        tpu.vector_store %arg6[%swap3A_456], %broadcast_in_dim3A_453 {strides = array<i32>} : memref<65536xf32, #tpu.memory_space<vmem>>, vector<16xf32>,
        %scan3A_458 = arith.constant 7 : i32
        %scan3A_459 = arith.addi %scan3A_403, %scan3A_458 : i32
        %broadcast_in_dim3A_460 = arith.constant 0.000000e+00 : f32
        %broadcast_in_dim3A_461 = vector.broadcast %broadcast_in_dim3A_460 : f32 to vector<16xf32>
        %mul3A_462 = arith.constant 16 : i32
        %mul3A_463 = arith.muli %scan3A_459, %mul3A_462 : i32
        %swap3A_464 = arith.index_cast %mul3A_463 : i32 to index
        %swap3A_465 = tpu.vector_load %arg6[%swap3A_464] {strides = array<i32>} : memref<65536xf32, #tpu.memory_space<vmem>>, vector<16xf32>,
        tpu.vector_store %arg6[%swap3A_464], %broadcast_in_dim3A_461 {strides = array<i32>} : memref<65536xf32, #tpu.memory_space<vmem>>, vector<16xf32>,
      }
      %scan3A_202 = arith.constant 4096 : i32
      %min3A_203 = arith.constant 6266864 : i32
      %min3A_204 = arith.minsi %scan3A_163, %min3A_203 : i32
      %max3A_205 = arith.constant 0 : i32
      %max3A_206 = arith.maxsi %min3A_204, %max3A_205 : i32
      %multiple_of3A_207 = tpu.assume_multiple %max3A_206, 16 : i32
      %dma_wait3A_208 = arith.constant 0 : i32
      %dma_wait3A_209 = tpu.memref_slice %arg7[%dma_wait3A_208] : memref<24608xi32, #tpu.memory_space<vmem>> -> memref<24592xi32, #tpu.memory_space<vmem>>
      %dma_wait3A_210 = tpu.memref_slice %arg2[%multiple_of3A_207] : memref<6291456xi32, #tpu.memory_space<hbm>> -> memref<24592xi32, #tpu.memory_space<hbm>>
      %dma_wait3A_211 = arith.constant 0 : i32
      %dma_wait3A_212 = tpu.memref_slice %arg7[%dma_wait3A_211] : memref<24608xi32, #tpu.memory_space<vmem>> -> memref<24592xi32, #tpu.memory_space<vmem>>
      %dma_wait3A_213 = tpu.memref_slice %arg2[%multiple_of3A_207] : memref<6291456xi32, #tpu.memory_space<hbm>> -> memref<24592xi32, #tpu.memory_space<hbm>>
      tpu.wait_dma2 semaphore(%arg12 : memref<!tpu.dma_semaphore, #tpu.memory_space<semaphore_mem>>) src(%dma_wait3A_213 : memref<24592xi32, #tpu.memory_space<hbm>>) dst(%dma_wait3A_212 : memref<24592xi32, #tpu.memory_space<vmem>>)
      %dma_wait3A_214 = tpu.memref_slice %arg3[%multiple_of3A_207] : memref<6291456xf32, #tpu.memory_space<hbm>> -> memref<24576xf32, #tpu.memory_space<hbm>>
      %dma_wait3A_215 = tpu.memref_slice %arg3[%multiple_of3A_207] : memref<6291456xf32, #tpu.memory_space<hbm>> -> memref<24576xf32, #tpu.memory_space<hbm>>
      tpu.wait_dma2 semaphore(%arg13 : memref<!tpu.dma_semaphore, #tpu.memory_space<semaphore_mem>>) src(%dma_wait3A_215 : memref<24576xf32, #tpu.memory_space<hbm>>) dst(%arg8 : memref<24576xf32, #tpu.memory_space<vmem>>)
      %ge3A = arith.constant 1 : i32
      %ge3A_216 = arith.cmpi sge, %select_n3A_196, %ge3A : i32
      %convert_element_type3A = arith.extui %ge3A_216 : i1 to i32
      %cond3A = arith.constant 0 : i32
      %cond3A_217 = arith.cmpi ne, %convert_element_type3A, %cond3A : i32
      scf.if %cond3A_217 {
        %scan3A_403 = arith.constant 0 : i32
        %scan3A_404 = arith.constant 0 : i32
        %scan3A_405 = arith.constant 1536 : i32
        %scan3A_406 = arith.addi %scan3A_404, %scan3A_405 : i32
        %scan3A_407 = arith.constant 1 : i32
        scf.for %scan3A_409 = %scan3A_404 to %scan3A_406 step %scan3A_407  : i32 {
          %mul3A_410 = arith.constant 16 : i32
          %mul3A_411 = arith.muli %scan3A_409, %mul3A_410 : i32
          %get3A_412 = arith.index_cast %mul3A_411 : i32 to index
          %get3A_413 = tpu.vector_load %arg7[%get3A_412] {strides = array<i32>} : memref<24608xi32, #tpu.memory_space<vmem>>, vector<16xi32>,
          %mul3A_414 = arith.constant 16 : i32
          %mul3A_415 = arith.muli %scan3A_409, %mul3A_414 : i32
          %add3A_416 = arith.constant 1 : i32
          %add3A_417 = arith.addi %mul3A_415, %add3A_416 : i32
          %get3A_418 = arith.index_cast %add3A_417 : i32 to index
          %get3A_419 = tpu.vector_load %arg7[%get3A_418] {strides = array<i32>} : memref<24608xi32, #tpu.memory_space<vmem>>, vector<16xi32>,
          %mul3A_420 = arith.constant 16 : i32
          %mul3A_421 = arith.muli %scan3A_409, %mul3A_420 : i32
          %get3A_422 = arith.index_cast %mul3A_421 : i32 to index
          %get3A_423 = tpu.vector_load %arg8[%get3A_422] {strides = array<i32>} : memref<24576xf32, #tpu.memory_space<vmem>>, vector<16xf32>,
          %ne3A_424 = arith.cmpi ne, %get3A_413, %get3A_419 : vector<16xi32>
          %shift_right_arithmetic3A_425 = arith.constant 16 : i32
          %shift_right_arithmetic3A_426 = vector.broadcast %shift_right_arithmetic3A_425 : i32 to vector<16xi32>
          %shift_right_arithmetic3A_427 = arith.shrsi %get3A_413, %shift_right_arithmetic3A_426 : vector<16xi32>
          %eq3A_428 = vector.broadcast %add3A_167 : i32 to vector<16xi32>
          %eq3A_429 = arith.cmpi eq, %shift_right_arithmetic3A_427, %eq3A_428 : vector<16xi32>
          %and3A_430 = arith.andi %ne3A_424, %eq3A_429 : vector<16xi1>
          %and3A_431 = arith.constant 65535 : i32
          %and3A_432 = vector.broadcast %and3A_431 : i32 to vector<16xi32>
          %and3A_433 = arith.andi %get3A_413, %and3A_432 : vector<16xi32>
          tpu.vector_store_idx %arg6[%and3A_433], %get3A_423 masked %and3A_430 : memref<65536xf32, #tpu.memory_space<vmem>>[vector<16xi32>], vector<16xf32>, vector<16xi1>
        }
        %scan3A_408 = arith.constant 1536 : i32
      } else {
      }
      %while3A = arith.constant 0 : i32
      %while3A_218 = arith.constant 1 : i32
      %while3A_219 = arith.subi %select_n3A_196, %while3A_218 : i32
      %while3A_220 = arith.addi %while3A_218, %while3A_219 : i32
      %while3A_221 = arith.constant 1 : i32
      %while3A_222 = arith.divsi %while3A_219, %while3A_221 : i32
      %while3A_223 = arith.muli %while3A_222, %while3A_221 : i32
      %while3A_224 = arith.addi %while3A_218, %while3A_223 : i32
      %while3A_225 = arith.constant 1 : i32
      scf.for %while3A_403 = %while3A_218 to %while3A_224 step %while3A_225  : i32 {
        %mul3A_404 = arith.constant 24576 : i32
        %mul3A_405 = arith.muli %while3A_403, %mul3A_404 : i32
        %add3A_406 = arith.addi %scan3A_163, %mul3A_405 : i32
        %min3A_407 = arith.constant 6266864 : i32
        %min3A_408 = arith.minsi %add3A_406, %min3A_407 : i32
        %max3A_409 = arith.constant 0 : i32
        %max3A_410 = arith.maxsi %min3A_408, %max3A_409 : i32
        %multiple_of3A_411 = tpu.assume_multiple %max3A_410, 16 : i32
        "tpu.region"() ({
          %run_scoped3A = tpu.sem_alloc : memref<!tpu.dma_semaphore, #tpu.memory_space<semaphore_mem>>
          %dma_start3A_417 = arith.constant 0 : i32
          %dma_start3A_418 = tpu.memref_slice %arg7[%dma_start3A_417] : memref<24608xi32, #tpu.memory_space<vmem>> -> memref<24592xi32, #tpu.memory_space<vmem>>
          %dma_start3A_419 = tpu.memref_slice %arg2[%multiple_of3A_411] : memref<6291456xi32, #tpu.memory_space<hbm>> -> memref<24592xi32, #tpu.memory_space<hbm>>
          %dma_start3A_420 = arith.constant 0 : i32
          %dma_start3A_421 = tpu.memref_slice %arg7[%dma_start3A_420] : memref<24608xi32, #tpu.memory_space<vmem>> -> memref<24592xi32, #tpu.memory_space<vmem>>
          %dma_start3A_422 = tpu.memref_slice %arg2[%multiple_of3A_411] : memref<6291456xi32, #tpu.memory_space<hbm>> -> memref<24592xi32, #tpu.memory_space<hbm>>
          tpu.enqueue_dma source(%dma_start3A_422 : memref<24592xi32, #tpu.memory_space<hbm>>) target(%dma_start3A_421 : memref<24592xi32, #tpu.memory_space<vmem>>) target_semaphore(%run_scoped3A : memref<!tpu.dma_semaphore, #tpu.memory_space<semaphore_mem>>)
          %dma_wait3A_423 = arith.constant 0 : i32
          %dma_wait3A_424 = tpu.memref_slice %arg7[%dma_wait3A_423] : memref<24608xi32, #tpu.memory_space<vmem>> -> memref<24592xi32, #tpu.memory_space<vmem>>
          %dma_wait3A_425 = tpu.memref_slice %arg2[%multiple_of3A_411] : memref<6291456xi32, #tpu.memory_space<hbm>> -> memref<24592xi32, #tpu.memory_space<hbm>>
          %dma_wait3A_426 = arith.constant 0 : i32
          %dma_wait3A_427 = tpu.memref_slice %arg7[%dma_wait3A_426] : memref<24608xi32, #tpu.memory_space<vmem>> -> memref<24592xi32, #tpu.memory_space<vmem>>
          %dma_wait3A_428 = tpu.memref_slice %arg2[%multiple_of3A_411] : memref<6291456xi32, #tpu.memory_space<hbm>> -> memref<24592xi32, #tpu.memory_space<hbm>>
          tpu.wait_dma2 semaphore(%run_scoped3A : memref<!tpu.dma_semaphore, #tpu.memory_space<semaphore_mem>>) src(%dma_wait3A_428 : memref<24592xi32, #tpu.memory_space<hbm>>) dst(%dma_wait3A_427 : memref<24592xi32, #tpu.memory_space<vmem>>)
          tpu.yield
        }) : () -> ()
        "tpu.region"() ({
          %run_scoped3A = tpu.sem_alloc : memref<!tpu.dma_semaphore, #tpu.memory_space<semaphore_mem>>
          %dma_start3A_417 = tpu.memref_slice %arg3[%multiple_of3A_411] : memref<6291456xf32, #tpu.memory_space<hbm>> -> memref<24576xf32, #tpu.memory_space<hbm>>
          %dma_start3A_418 = tpu.memref_slice %arg3[%multiple_of3A_411] : memref<6291456xf32, #tpu.memory_space<hbm>> -> memref<24576xf32, #tpu.memory_space<hbm>>
          tpu.enqueue_dma source(%dma_start3A_418 : memref<24576xf32, #tpu.memory_space<hbm>>) target(%arg8 : memref<24576xf32, #tpu.memory_space<vmem>>) target_semaphore(%run_scoped3A : memref<!tpu.dma_semaphore, #tpu.memory_space<semaphore_mem>>)
          %dma_wait3A_419 = tpu.memref_slice %arg3[%multiple_of3A_411] : memref<6291456xf32, #tpu.memory_space<hbm>> -> memref<24576xf32, #tpu.memory_space<hbm>>
          %dma_wait3A_420 = tpu.memref_slice %arg3[%multiple_of3A_411] : memref<6291456xf32, #tpu.memory_space<hbm>> -> memref<24576xf32, #tpu.memory_space<hbm>>
          tpu.wait_dma2 semaphore(%run_scoped3A : memref<!tpu.dma_semaphore, #tpu.memory_space<semaphore_mem>>) src(%dma_wait3A_420 : memref<24576xf32, #tpu.memory_space<hbm>>) dst(%arg8 : memref<24576xf32, #tpu.memory_space<vmem>>)
          tpu.yield
        }) : () -> ()
        %scan3A_412 = arith.constant 0 : i32
        %scan3A_413 = arith.constant 1536 : i32
        %scan3A_414 = arith.addi %scan3A_412, %scan3A_413 : i32
        %scan3A_415 = arith.constant 1 : i32
        scf.for %scan3A_417 = %scan3A_412 to %scan3A_414 step %scan3A_415  : i32 {
          %mul3A_418 = arith.constant 16 : i32
          %mul3A_419 = arith.muli %scan3A_417, %mul3A_418 : i32
          %get3A_420 = arith.index_cast %mul3A_419 : i32 to index
          %get3A_421 = tpu.vector_load %arg7[%get3A_420] {strides = array<i32>} : memref<24608xi32, #tpu.memory_space<vmem>>, vector<16xi32>,
          %mul3A_422 = arith.constant 16 : i32
          %mul3A_423 = arith.muli %scan3A_417, %mul3A_422 : i32
          %add3A_424 = arith.constant 1 : i32
          %add3A_425 = arith.addi %mul3A_423, %add3A_424 : i32
          %get3A_426 = arith.index_cast %add3A_425 : i32 to index
          %get3A_427 = tpu.vector_load %arg7[%get3A_426] {strides = array<i32>} : memref<24608xi32, #tpu.memory_space<vmem>>, vector<16xi32>,
          %mul3A_428 = arith.constant 16 : i32
          %mul3A_429 = arith.muli %scan3A_417, %mul3A_428 : i32
          %get3A_430 = arith.index_cast %mul3A_429 : i32 to index
          %get3A_431 = tpu.vector_load %arg8[%get3A_430] {strides = array<i32>} : memref<24576xf32, #tpu.memory_space<vmem>>, vector<16xf32>,
          %ne3A_432 = arith.cmpi ne, %get3A_421, %get3A_427 : vector<16xi32>
          %shift_right_arithmetic3A_433 = arith.constant 16 : i32
          %shift_right_arithmetic3A_434 = vector.broadcast %shift_right_arithmetic3A_433 : i32 to vector<16xi32>
          %shift_right_arithmetic3A_435 = arith.shrsi %get3A_421, %shift_right_arithmetic3A_434 : vector<16xi32>
          %eq3A_436 = vector.broadcast %add3A_167 : i32 to vector<16xi32>
          %eq3A_437 = arith.cmpi eq, %shift_right_arithmetic3A_435, %eq3A_436 : vector<16xi32>
          %and3A_438 = arith.andi %ne3A_432, %eq3A_437 : vector<16xi1>
          %and3A_439 = arith.constant 65535 : i32
          %and3A_440 = vector.broadcast %and3A_439 : i32 to vector<16xi32>
          %and3A_441 = arith.andi %get3A_421, %and3A_440 : vector<16xi32>
          tpu.vector_store_idx %arg6[%and3A_441], %get3A_431 masked %and3A_438 : memref<65536xf32, #tpu.memory_space<vmem>>[vector<16xi32>], vector<16xf32>, vector<16xi1>
        }
        %scan3A_416 = arith.constant 1536 : i32
      }
      %while3A_226 = arith.constant 1 : i32
      scf.for %while3A_403 = %while3A_224 to %while3A_220 step %while3A_226  : i32 {
        %mul3A_404 = arith.constant 24576 : i32
        %mul3A_405 = arith.muli %while3A_403, %mul3A_404 : i32
        %add3A_406 = arith.addi %scan3A_163, %mul3A_405 : i32
        %min3A_407 = arith.constant 6266864 : i32
        %min3A_408 = arith.minsi %add3A_406, %min3A_407 : i32
        %max3A_409 = arith.constant 0 : i32
        %max3A_410 = arith.maxsi %min3A_408, %max3A_409 : i32
        %multiple_of3A_411 = tpu.assume_multiple %max3A_410, 16 : i32
        "tpu.region"() ({
          %run_scoped3A = tpu.sem_alloc : memref<!tpu.dma_semaphore, #tpu.memory_space<semaphore_mem>>
          %dma_start3A_417 = arith.constant 0 : i32
          %dma_start3A_418 = tpu.memref_slice %arg7[%dma_start3A_417] : memref<24608xi32, #tpu.memory_space<vmem>> -> memref<24592xi32, #tpu.memory_space<vmem>>
          %dma_start3A_419 = tpu.memref_slice %arg2[%multiple_of3A_411] : memref<6291456xi32, #tpu.memory_space<hbm>> -> memref<24592xi32, #tpu.memory_space<hbm>>
          %dma_start3A_420 = arith.constant 0 : i32
          %dma_start3A_421 = tpu.memref_slice %arg7[%dma_start3A_420] : memref<24608xi32, #tpu.memory_space<vmem>> -> memref<24592xi32, #tpu.memory_space<vmem>>
          %dma_start3A_422 = tpu.memref_slice %arg2[%multiple_of3A_411] : memref<6291456xi32, #tpu.memory_space<hbm>> -> memref<24592xi32, #tpu.memory_space<hbm>>
          tpu.enqueue_dma source(%dma_start3A_422 : memref<24592xi32, #tpu.memory_space<hbm>>) target(%dma_start3A_421 : memref<24592xi32, #tpu.memory_space<vmem>>) target_semaphore(%run_scoped3A : memref<!tpu.dma_semaphore, #tpu.memory_space<semaphore_mem>>)
          %dma_wait3A_423 = arith.constant 0 : i32
          %dma_wait3A_424 = tpu.memref_slice %arg7[%dma_wait3A_423] : memref<24608xi32, #tpu.memory_space<vmem>> -> memref<24592xi32, #tpu.memory_space<vmem>>
          %dma_wait3A_425 = tpu.memref_slice %arg2[%multiple_of3A_411] : memref<6291456xi32, #tpu.memory_space<hbm>> -> memref<24592xi32, #tpu.memory_space<hbm>>
          %dma_wait3A_426 = arith.constant 0 : i32
          %dma_wait3A_427 = tpu.memref_slice %arg7[%dma_wait3A_426] : memref<24608xi32, #tpu.memory_space<vmem>> -> memref<24592xi32, #tpu.memory_space<vmem>>
          %dma_wait3A_428 = tpu.memref_slice %arg2[%multiple_of3A_411] : memref<6291456xi32, #tpu.memory_space<hbm>> -> memref<24592xi32, #tpu.memory_space<hbm>>
          tpu.wait_dma2 semaphore(%run_scoped3A : memref<!tpu.dma_semaphore, #tpu.memory_space<semaphore_mem>>) src(%dma_wait3A_428 : memref<24592xi32, #tpu.memory_space<hbm>>) dst(%dma_wait3A_427 : memref<24592xi32, #tpu.memory_space<vmem>>)
          tpu.yield
        }) : () -> ()
        "tpu.region"() ({
          %run_scoped3A = tpu.sem_alloc : memref<!tpu.dma_semaphore, #tpu.memory_space<semaphore_mem>>
          %dma_start3A_417 = tpu.memref_slice %arg3[%multiple_of3A_411] : memref<6291456xf32, #tpu.memory_space<hbm>> -> memref<24576xf32, #tpu.memory_space<hbm>>
          %dma_start3A_418 = tpu.memref_slice %arg3[%multiple_of3A_411] : memref<6291456xf32, #tpu.memory_space<hbm>> -> memref<24576xf32, #tpu.memory_space<hbm>>
          tpu.enqueue_dma source(%dma_start3A_418 : memref<24576xf32, #tpu.memory_space<hbm>>) target(%arg8 : memref<24576xf32, #tpu.memory_space<vmem>>) target_semaphore(%run_scoped3A : memref<!tpu.dma_semaphore, #tpu.memory_space<semaphore_mem>>)
          %dma_wait3A_419 = tpu.memref_slice %arg3[%multiple_of3A_411] : memref<6291456xf32, #tpu.memory_space<hbm>> -> memref<24576xf32, #tpu.memory_space<hbm>>
          %dma_wait3A_420 = tpu.memref_slice %arg3[%multiple_of3A_411] : memref<6291456xf32, #tpu.memory_space<hbm>> -> memref<24576xf32, #tpu.memory_space<hbm>>
          tpu.wait_dma2 semaphore(%run_scoped3A : memref<!tpu.dma_semaphore, #tpu.memory_space<semaphore_mem>>) src(%dma_wait3A_420 : memref<24576xf32, #tpu.memory_space<hbm>>) dst(%arg8 : memref<24576xf32, #tpu.memory_space<vmem>>)
          tpu.yield
        }) : () -> ()
        %scan3A_412 = arith.constant 0 : i32
        %scan3A_413 = arith.constant 1536 : i32
        %scan3A_414 = arith.addi %scan3A_412, %scan3A_413 : i32
        %scan3A_415 = arith.constant 1 : i32
        scf.for %scan3A_417 = %scan3A_412 to %scan3A_414 step %scan3A_415  : i32 {
          %mul3A_418 = arith.constant 16 : i32
          %mul3A_419 = arith.muli %scan3A_417, %mul3A_418 : i32
          %get3A_420 = arith.index_cast %mul3A_419 : i32 to index
          %get3A_421 = tpu.vector_load %arg7[%get3A_420] {strides = array<i32>} : memref<24608xi32, #tpu.memory_space<vmem>>, vector<16xi32>,
          %mul3A_422 = arith.constant 16 : i32
          %mul3A_423 = arith.muli %scan3A_417, %mul3A_422 : i32
          %add3A_424 = arith.constant 1 : i32
          %add3A_425 = arith.addi %mul3A_423, %add3A_424 : i32
          %get3A_426 = arith.index_cast %add3A_425 : i32 to index
          %get3A_427 = tpu.vector_load %arg7[%get3A_426] {strides = array<i32>} : memref<24608xi32, #tpu.memory_space<vmem>>, vector<16xi32>,
          %mul3A_428 = arith.constant 16 : i32
          %mul3A_429 = arith.muli %scan3A_417, %mul3A_428 : i32
          %get3A_430 = arith.index_cast %mul3A_429 : i32 to index
          %get3A_431 = tpu.vector_load %arg8[%get3A_430] {strides = array<i32>} : memref<24576xf32, #tpu.memory_space<vmem>>, vector<16xf32>,
          %ne3A_432 = arith.cmpi ne, %get3A_421, %get3A_427 : vector<16xi32>
          %shift_right_arithmetic3A_433 = arith.constant 16 : i32
          %shift_right_arithmetic3A_434 = vector.broadcast %shift_right_arithmetic3A_433 : i32 to vector<16xi32>
          %shift_right_arithmetic3A_435 = arith.shrsi %get3A_421, %shift_right_arithmetic3A_434 : vector<16xi32>
          %eq3A_436 = vector.broadcast %add3A_167 : i32 to vector<16xi32>
          %eq3A_437 = arith.cmpi eq, %shift_right_arithmetic3A_435, %eq3A_436 : vector<16xi32>
          %and3A_438 = arith.andi %ne3A_432, %eq3A_437 : vector<16xi1>
          %and3A_439 = arith.constant 65535 : i32
          %and3A_440 = vector.broadcast %and3A_439 : i32 to vector<16xi32>
          %and3A_441 = arith.andi %get3A_421, %and3A_440 : vector<16xi32>
          tpu.vector_store_idx %arg6[%and3A_441], %get3A_431 masked %and3A_438 : memref<65536xf32, #tpu.memory_space<vmem>>[vector<16xi32>], vector<16xf32>, vector<16xi1>
        }
        %scan3A_416 = arith.constant 1536 : i32
      }
      %get3A_227 = arith.constant 0 : index
      %get3A_228 = tpu.vector_load %arg10[%get3A_227] {strides = array<i32>} : memref<32xi32, #tpu.memory_space<vmem>>, vector<16xi32>,
      %get3A_229 = arith.constant 1 : index
      %get3A_230 = tpu.vector_load %arg10[%get3A_229] {strides = array<i32>} : memref<32xi32, #tpu.memory_space<vmem>>, vector<16xi32>,
      %get3A_231 = arith.constant 0 : index
      %get3A_232 = tpu.vector_load %arg11[%get3A_231] {strides = array<i32>} : memref<16xf32, #tpu.memory_space<vmem>>, vector<16xf32>,
      %ne3A_233 = arith.cmpi ne, %get3A_228, %get3A_230 : vector<16xi32>
      %shift_right_arithmetic3A = arith.constant 16 : i32
      %shift_right_arithmetic3A_234 = vector.broadcast %shift_right_arithmetic3A : i32 to vector<16xi32>
      %shift_right_arithmetic3A_235 = arith.shrsi %get3A_228, %shift_right_arithmetic3A_234 : vector<16xi32>
      %eq3A_236 = vector.broadcast %add3A_167 : i32 to vector<16xi32>
      %eq3A_237 = arith.cmpi eq, %shift_right_arithmetic3A_235, %eq3A_236 : vector<16xi32>
      %and3A_238 = arith.andi %ne3A_233, %eq3A_237 : vector<16xi1>
      %and3A_239 = arith.constant 65535 : i32
      %and3A_240 = vector.broadcast %and3A_239 : i32 to vector<16xi32>
      %and3A_241 = arith.andi %get3A_228, %and3A_240 : vector<16xi32>
      tpu.vector_store_idx %arg6[%and3A_241], %get3A_232 masked %and3A_238 : memref<65536xf32, #tpu.memory_space<vmem>>[vector<16xi32>], vector<16xf32>, vector<16xi1>
      %add3A_242 = arith.constant 1 : i32
      %add3A_243 = arith.addi %add3A_167, %add3A_242 : i32
      %jit3A_244 = arith.constant 16 : i32
      %div3A_245 = arith.divsi %add3A_243, %jit3A_244 : i32
      %sign3A_246 = arith.constant 0 : i32
      %sign3A_247 = arith.cmpi sgt, %add3A_243, %sign3A_246 : i32
      %sign3A_248 = arith.extui %sign3A_247 : i1 to i32
      %sign3A_249 = arith.constant 0 : i32
      %sign3A_250 = arith.cmpi slt, %add3A_243, %sign3A_249 : i32
      %sign3A_251 = arith.extui %sign3A_250 : i1 to i32
      %sign3A_252 = arith.subi %sign3A_248, %sign3A_251 : i32
      %sign3A_253 = arith.constant 0 : i32
      %sign3A_254 = arith.cmpi sgt, %jit3A_244, %sign3A_253 : i32
      %sign3A_255 = arith.extui %sign3A_254 : i1 to i32
      %sign3A_256 = arith.constant 0 : i32
      %sign3A_257 = arith.cmpi slt, %jit3A_244, %sign3A_256 : i32
      %sign3A_258 = arith.extui %sign3A_257 : i1 to i32
      %sign3A_259 = arith.subi %sign3A_255, %sign3A_258 : i32
      %ne3A_260 = arith.cmpi ne, %sign3A_252, %sign3A_259 : i32
      %rem3A_261 = arith.remsi %add3A_243, %jit3A_244 : i32
      %ne3A_262 = arith.constant 0 : i32
      %ne3A_263 = arith.cmpi ne, %rem3A_261, %ne3A_262 : i32
      %and3A_264 = arith.andi %ne3A_260, %ne3A_263 : i1
      %sub3A_265 = arith.constant 1 : i32
      %sub3A_266 = arith.subi %div3A_245, %sub3A_265 : i32
      %select_n3A_267 = arith.select %and3A_264, %sub3A_266, %div3A_245 : i32
      %mul3A_268 = arith.constant 16 : i32
      %mul3A_269 = arith.muli %select_n3A_267, %mul3A_268 : i32
      %get3A_270 = arith.index_cast %mul3A_269 : i32 to index
      %get3A_271 = tpu.vector_load %arg9[%get3A_270] {strides = array<i32>} : memref<400xi32, #tpu.memory_space<vmem>>, vector<16xi32>,
      %jit3A_272 = arith.constant 16 : i32
      %eq3A_273 = arith.constant 0 : i32
      %eq3A_274 = arith.cmpi eq, %jit3A_272, %eq3A_273 : i32
      %jit3A_275 = arith.constant 1 : i32
      %select_n3A_276 = arith.select %eq3A_274, %jit3A_275, %jit3A_272 : i32
      %rem3A_277 = arith.remsi %add3A_243, %select_n3A_276 : i32
      %ne3A_278 = arith.constant 0 : i32
      %ne3A_279 = arith.cmpi ne, %rem3A_277, %ne3A_278 : i32
      %lt3A_280 = arith.constant 0 : i32
      %lt3A_281 = arith.cmpi slt, %rem3A_277, %lt3A_280 : i32
      %lt3A_282 = arith.constant 0 : i32
      %lt3A_283 = arith.cmpi slt, %select_n3A_276, %lt3A_282 : i32
      %ne3A_284 = arith.xori %lt3A_281, %lt3A_283 : i1
      %and3A_285 = arith.andi %ne3A_284, %ne3A_279 : i1
      %add3A_286 = arith.addi %rem3A_277, %select_n3A_276 : i32
      %select_n3A_287 = arith.select %and3A_285, %add3A_286, %rem3A_277 : i32
      %iota3A_288 = tpu.iota {dimensions = array<i32: 0>} : vector<16xi32>
      %eq3A_289 = vector.broadcast %select_n3A_287 : i32 to vector<16xi32>
      %eq3A_290 = arith.cmpi eq, %iota3A_288, %eq3A_289 : vector<16xi32>
      %jit3A_291 = arith.constant -1 : i32
      %broadcast_in_dim3A_292 = vector.broadcast %jit3A_291 : i32 to vector<16xi32>
      %select_n3A_293 = arith.select %eq3A_290, %get3A_271, %broadcast_in_dim3A_292 : vector<16xi1>, vector<16xi32>
      %reduce_max3A_294 = arith.constant true
      %reduce_max3A_295 = vector.broadcast %reduce_max3A_294 : i1 to vector<16xi1>
      %reduce_max3A_296 = arith.constant -2147483648 : i32
      %reduce_max3A_297 = vector.broadcast %reduce_max3A_296 : i32 to vector<16xi32>
      %reduce_max3A_298 = arith.xori %select_n3A_293, %reduce_max3A_297 : vector<16xi32>
      %reduce_max3A_299 = tpu.scan <max>, %reduce_max3A_298 masked %reduce_max3A_295 : vector<16xi32>, vector<16xi1> -> vector<16xi32>
      %reduce_max3A_300 = arith.xori %reduce_max3A_299, %reduce_max3A_297 : vector<16xi32>
      %reduce_max3A_301 = vector.extract %reduce_max3A_300[15] : i32 from vector<16xi32>
      %add3A_302 = arith.constant 1 : i32
      %add3A_303 = arith.addi %add3A_243, %add3A_302 : i32
      %jit3A_304 = arith.constant 16 : i32
      %div3A_305 = arith.divsi %add3A_303, %jit3A_304 : i32
      %sign3A_306 = arith.constant 0 : i32
      %sign3A_307 = arith.cmpi sgt, %add3A_303, %sign3A_306 : i32
      %sign3A_308 = arith.extui %sign3A_307 : i1 to i32
      %sign3A_309 = arith.constant 0 : i32
      %sign3A_310 = arith.cmpi slt, %add3A_303, %sign3A_309 : i32
      %sign3A_311 = arith.extui %sign3A_310 : i1 to i32
      %sign3A_312 = arith.subi %sign3A_308, %sign3A_311 : i32
      %sign3A_313 = arith.constant 0 : i32
      %sign3A_314 = arith.cmpi sgt, %jit3A_304, %sign3A_313 : i32
      %sign3A_315 = arith.extui %sign3A_314 : i1 to i32
      %sign3A_316 = arith.constant 0 : i32
      %sign3A_317 = arith.cmpi slt, %jit3A_304, %sign3A_316 : i32
      %sign3A_318 = arith.extui %sign3A_317 : i1 to i32
      %sign3A_319 = arith.subi %sign3A_315, %sign3A_318 : i32
      %ne3A_320 = arith.cmpi ne, %sign3A_312, %sign3A_319 : i32
      %rem3A_321 = arith.remsi %add3A_303, %jit3A_304 : i32
      %ne3A_322 = arith.constant 0 : i32
      %ne3A_323 = arith.cmpi ne, %rem3A_321, %ne3A_322 : i32
      %and3A_324 = arith.andi %ne3A_320, %ne3A_323 : i1
      %sub3A_325 = arith.constant 1 : i32
      %sub3A_326 = arith.subi %div3A_305, %sub3A_325 : i32
      %select_n3A_327 = arith.select %and3A_324, %sub3A_326, %div3A_305 : i32
      %mul3A_328 = arith.constant 16 : i32
      %mul3A_329 = arith.muli %select_n3A_327, %mul3A_328 : i32
      %get3A_330 = arith.index_cast %mul3A_329 : i32 to index
      %get3A_331 = tpu.vector_load %arg9[%get3A_330] {strides = array<i32>} : memref<400xi32, #tpu.memory_space<vmem>>, vector<16xi32>,
      %jit3A_332 = arith.constant 16 : i32
      %eq3A_333 = arith.constant 0 : i32
      %eq3A_334 = arith.cmpi eq, %jit3A_332, %eq3A_333 : i32
      %jit3A_335 = arith.constant 1 : i32
      %select_n3A_336 = arith.select %eq3A_334, %jit3A_335, %jit3A_332 : i32
      %rem3A_337 = arith.remsi %add3A_303, %select_n3A_336 : i32
      %ne3A_338 = arith.constant 0 : i32
      %ne3A_339 = arith.cmpi ne, %rem3A_337, %ne3A_338 : i32
      %lt3A_340 = arith.constant 0 : i32
      %lt3A_341 = arith.cmpi slt, %rem3A_337, %lt3A_340 : i32
      %lt3A_342 = arith.constant 0 : i32
      %lt3A_343 = arith.cmpi slt, %select_n3A_336, %lt3A_342 : i32
      %ne3A_344 = arith.xori %lt3A_341, %lt3A_343 : i1
      %and3A_345 = arith.andi %ne3A_344, %ne3A_339 : i1
      %add3A_346 = arith.addi %rem3A_337, %select_n3A_336 : i32
      %select_n3A_347 = arith.select %and3A_345, %add3A_346, %rem3A_337 : i32
      %iota3A_348 = tpu.iota {dimensions = array<i32: 0>} : vector<16xi32>
      %eq3A_349 = vector.broadcast %select_n3A_347 : i32 to vector<16xi32>
      %eq3A_350 = arith.cmpi eq, %iota3A_348, %eq3A_349 : vector<16xi32>
      %jit3A_351 = arith.constant -1 : i32
      %broadcast_in_dim3A_352 = vector.broadcast %jit3A_351 : i32 to vector<16xi32>
      %select_n3A_353 = arith.select %eq3A_350, %get3A_331, %broadcast_in_dim3A_352 : vector<16xi1>, vector<16xi32>
      %reduce_max3A_354 = arith.constant true
      %reduce_max3A_355 = vector.broadcast %reduce_max3A_354 : i1 to vector<16xi1>
      %reduce_max3A_356 = arith.constant -2147483648 : i32
      %reduce_max3A_357 = vector.broadcast %reduce_max3A_356 : i32 to vector<16xi32>
      %reduce_max3A_358 = arith.xori %select_n3A_353, %reduce_max3A_357 : vector<16xi32>
      %reduce_max3A_359 = tpu.scan <max>, %reduce_max3A_358 masked %reduce_max3A_355 : vector<16xi32>, vector<16xi1> -> vector<16xi32>
      %reduce_max3A_360 = arith.xori %reduce_max3A_359, %reduce_max3A_357 : vector<16xi32>
      %reduce_max3A_361 = vector.extract %reduce_max3A_360[15] : i32 from vector<16xi32>
      %jit3A_362 = arith.constant 16 : i32
      %div3A_363 = arith.divsi %reduce_max3A_301, %jit3A_362 : i32
      %sign3A_364 = arith.constant 0 : i32
      %sign3A_365 = arith.cmpi sgt, %reduce_max3A_301, %sign3A_364 : i32
      %sign3A_366 = arith.extui %sign3A_365 : i1 to i32
      %sign3A_367 = arith.constant 0 : i32
      %sign3A_368 = arith.cmpi slt, %reduce_max3A_301, %sign3A_367 : i32
      %sign3A_369 = arith.extui %sign3A_368 : i1 to i32
      %sign3A_370 = arith.subi %sign3A_366, %sign3A_369 : i32
      %sign3A_371 = arith.constant 0 : i32
      %sign3A_372 = arith.cmpi sgt, %jit3A_362, %sign3A_371 : i32
      %sign3A_373 = arith.extui %sign3A_372 : i1 to i32
      %sign3A_374 = arith.constant 0 : i32
      %sign3A_375 = arith.cmpi slt, %jit3A_362, %sign3A_374 : i32
      %sign3A_376 = arith.extui %sign3A_375 : i1 to i32
      %sign3A_377 = arith.subi %sign3A_373, %sign3A_376 : i32
      %ne3A_378 = arith.cmpi ne, %sign3A_370, %sign3A_377 : i32
      %rem3A_379 = arith.remsi %reduce_max3A_301, %jit3A_362 : i32
      %ne3A_380 = arith.constant 0 : i32
      %ne3A_381 = arith.cmpi ne, %rem3A_379, %ne3A_380 : i32
      %and3A_382 = arith.andi %ne3A_378, %ne3A_381 : i1
      %sub3A_383 = arith.constant 1 : i32
      %sub3A_384 = arith.subi %div3A_363, %sub3A_383 : i32
      %select_n3A_385 = arith.select %and3A_382, %sub3A_384, %div3A_363 : i32
      %mul3A_386 = arith.constant 16 : i32
      %mul3A_387 = arith.muli %select_n3A_385, %mul3A_386 : i32
      %min3A_388 = arith.constant 6266864 : i32
      %min3A_389 = arith.minsi %mul3A_387, %min3A_388 : i32
      %max3A_390 = arith.constant 0 : i32
      %max3A_391 = arith.maxsi %min3A_389, %max3A_390 : i32
      %multiple_of3A_392 = tpu.assume_multiple %max3A_391, 16 : i32
      %dma_start3A_393 = arith.constant 0 : i32
      %dma_start3A_394 = tpu.memref_slice %arg7[%dma_start3A_393] : memref<24608xi32, #tpu.memory_space<vmem>> -> memref<24592xi32, #tpu.memory_space<vmem>>
      %dma_start3A_395 = tpu.memref_slice %arg2[%multiple_of3A_392] : memref<6291456xi32, #tpu.memory_space<hbm>> -> memref<24592xi32, #tpu.memory_space<hbm>>
      %dma_start3A_396 = arith.constant 0 : i32
      %dma_start3A_397 = tpu.memref_slice %arg7[%dma_start3A_396] : memref<24608xi32, #tpu.memory_space<vmem>> -> memref<24592xi32, #tpu.memory_space<vmem>>
      %dma_start3A_398 = tpu.memref_slice %arg2[%multiple_of3A_392] : memref<6291456xi32, #tpu.memory_space<hbm>> -> memref<24592xi32, #tpu.memory_space<hbm>>
      tpu.enqueue_dma source(%dma_start3A_398 : memref<24592xi32, #tpu.memory_space<hbm>>) target(%dma_start3A_397 : memref<24592xi32, #tpu.memory_space<vmem>>) target_semaphore(%arg12 : memref<!tpu.dma_semaphore, #tpu.memory_space<semaphore_mem>>)
      %dma_start3A_399 = tpu.memref_slice %arg3[%multiple_of3A_392] : memref<6291456xf32, #tpu.memory_space<hbm>> -> memref<24576xf32, #tpu.memory_space<hbm>>
      %dma_start3A_400 = tpu.memref_slice %arg3[%multiple_of3A_392] : memref<6291456xf32, #tpu.memory_space<hbm>> -> memref<24576xf32, #tpu.memory_space<hbm>>
      tpu.enqueue_dma source(%dma_start3A_400 : memref<24576xf32, #tpu.memory_space<hbm>>) target(%arg8 : memref<24576xf32, #tpu.memory_space<vmem>>) target_semaphore(%arg13 : memref<!tpu.dma_semaphore, #tpu.memory_space<semaphore_mem>>)
      %mul3A_401 = arith.constant 65536 : i32
      %mul3A_402 = arith.muli %add3A_167, %mul3A_401 : i32
      "tpu.region"() ({
        %run_scoped3A = tpu.sem_alloc : memref<!tpu.dma_semaphore, #tpu.memory_space<semaphore_mem>>
        %dma_start3A_403 = tpu.memref_slice %arg5[%mul3A_402] : memref<25165824xf32, #tpu.memory_space<hbm>> -> memref<65536xf32, #tpu.memory_space<hbm>>
        %dma_start3A_404 = tpu.memref_slice %arg5[%mul3A_402] : memref<25165824xf32, #tpu.memory_space<hbm>> -> memref<65536xf32, #tpu.memory_space<hbm>>
        tpu.enqueue_dma source(%arg6 : memref<65536xf32, #tpu.memory_space<vmem>>) target(%dma_start3A_404 : memref<65536xf32, #tpu.memory_space<hbm>>) target_semaphore(%run_scoped3A : memref<!tpu.dma_semaphore, #tpu.memory_space<semaphore_mem>>)
        %dma_wait3A_405 = tpu.memref_slice %arg5[%mul3A_402] : memref<25165824xf32, #tpu.memory_space<hbm>> -> memref<65536xf32, #tpu.memory_space<hbm>>
        %dma_wait3A_406 = tpu.memref_slice %arg5[%mul3A_402] : memref<25165824xf32, #tpu.memory_space<hbm>> -> memref<65536xf32, #tpu.memory_space<hbm>>
        tpu.wait_dma2 semaphore(%run_scoped3A : memref<!tpu.dma_semaphore, #tpu.memory_space<semaphore_mem>>) src(%arg6 : memref<65536xf32, #tpu.memory_space<vmem>>) dst(%dma_wait3A_406 : memref<65536xf32, #tpu.memory_space<hbm>>)
        tpu.yield
      }) : () -> ()
      scf.yield %mul3A_387, %reduce_max3A_361 : i32, i32
    }
    %scan3A_149 = arith.constant 12 : i32
    %min3A_150 = arith.constant 6266864 : i32
    %min3A_151 = arith.minsi %scan3A_148#0, %min3A_150 : i32
    %max3A_152 = arith.constant 0 : i32
    %max3A_153 = arith.maxsi %min3A_151, %max3A_152 : i32
    %multiple_of3A_154 = tpu.assume_multiple %max3A_153, 16 : i32
    %dma_wait3A = arith.constant 0 : i32
    %dma_wait3A_155 = tpu.memref_slice %arg7[%dma_wait3A] : memref<24608xi32, #tpu.memory_space<vmem>> -> memref<24592xi32, #tpu.memory_space<vmem>>
    %dma_wait3A_156 = tpu.memref_slice %arg2[%multiple_of3A_154] : memref<6291456xi32, #tpu.memory_space<hbm>> -> memref<24592xi32, #tpu.memory_space<hbm>>
    %dma_wait3A_157 = arith.constant 0 : i32
    %dma_wait3A_158 = tpu.memref_slice %arg7[%dma_wait3A_157] : memref<24608xi32, #tpu.memory_space<vmem>> -> memref<24592xi32, #tpu.memory_space<vmem>>
    %dma_wait3A_159 = tpu.memref_slice %arg2[%multiple_of3A_154] : memref<6291456xi32, #tpu.memory_space<hbm>> -> memref<24592xi32, #tpu.memory_space<hbm>>
    tpu.wait_dma2 semaphore(%arg12 : memref<!tpu.dma_semaphore, #tpu.memory_space<semaphore_mem>>) src(%dma_wait3A_159 : memref<24592xi32, #tpu.memory_space<hbm>>) dst(%dma_wait3A_158 : memref<24592xi32, #tpu.memory_space<vmem>>)
    %dma_wait3A_160 = tpu.memref_slice %arg3[%multiple_of3A_154] : memref<6291456xf32, #tpu.memory_space<hbm>> -> memref<24576xf32, #tpu.memory_space<hbm>>
    %dma_wait3A_161 = tpu.memref_slice %arg3[%multiple_of3A_154] : memref<6291456xf32, #tpu.memory_space<hbm>> -> memref<24576xf32, #tpu.memory_space<hbm>>
    tpu.wait_dma2 semaphore(%arg13 : memref<!tpu.dma_semaphore, #tpu.memory_space<semaphore_mem>>) src(%dma_wait3A_161 : memref<24576xf32, #tpu.memory_space<hbm>>) dst(%arg8 : memref<24576xf32, #tpu.memory_space<vmem>>)
    return
  }
}

</mosaic_0001>

<sc_bundles>
// kernel: kernel.3.cloned.1.call-start
scs
__scs_entry_jumppad:
0x0: {  	(pc) =	sbr.rel $0x88, $3  }
0x1: {  	(tag) =	ssettag $0x0;
	lr =	simm.s32 $0x1  }
0x2: {  	[smem:$0x3F9F] =	sst lr;
	_ =	strace $0xD0000000  }
0x3: {  	_ = 	snop  }
0x4: {  	_ = 	snop  }
0x5: {  	_ = 	snop  }
0x6: {  	_ = 	snop  }
0x7: {  	_ = 	snop  }
__scs_overlays_trampoline_lowered:
0x8: {  	[smem:$0x3FAE] =	sst s0  }
0x9: {  	[smem:$0x3FAF] =	sst s1  }
0xa: {  	[smem:$0x3FB0] =	sst s2  }
0xb: {  	[smem:$0x3FB1] =	sst s3  }
0xc: {  	[smem:$0x3FB2] =	sst s4  }
0xd: {  	[smem:$0x3FB3] =	sst s5  }
0xe: {  	[smem:$0x3FB4] =	sst s6  }
0xf: {  	[smem:$0x3FB5] =	sst s7  }
0x10: {  	[smem:$0x3FB6] =	sst s8  }
0x11: {  	[smem:$0x3FB7] =	sst s9;
	s0 =	simm.s32 @!p0 $0x0  }
0x12: {  	s1 =	sld [smem:$0x3F9D];
	s0 =	simm.s32 @p0 $0x1  }
0x13: {  	[smem:$0x3FB8] =	sst s0;
	s0 =	simm.s32 @!p1 $0x0  }
0x14: {  	s2 =	sld [smem:$0x3F9C];
	s0 =	simm.s32 @p1 $0x1  }
0x15: {  	[smem:$0x3FB9] =	sst s0;
	s0 =	simm.s32 @!p2 $0x0  }
0x16: {  	s3 =	sld [smem:$0x3FDB];
	s0 =	simm.s32 @p2 $0x1  }
0x17: {  	s4 =	simm.s32 $0x1BF5;
	[smem:$0x3FBB] =	sst s0  }
0x18: {  	s0 =	sld [smem:$0x3F9E];
	_ =	swait.ge [sflag:s4], $0x0  }
0x19: {  	s7 =	sld [smem:$0x3F9F]  }
0x1a: {  	s8 =	sadd.s32 $0xFFFFE003, lr  }
0x1b: {  	s9 =	sadd.s32 $0xFFFFFEF7, lr;
	s5 =	simm.s32 $0xFFFFFFFF;
	p2 =	slt.u32 s8, $0xFFFFF086  }
0x1c: {  	p1 =	slt.u32 s9, $0xF7A;
	s5 =	simm.s32 @!p2 $0x0  }
0x1d: {  	s5 =	simm.s32 @p1 $0x1;
	p0 =	seq.s32 s7, s2  }
0x1e: {  	s7 =	smul.u32 @!p0 $0xF7A, s2;
	p2 =	seq.s32 @!p0 s5, $0x0  }
0x1f: {  	s9 =	smul.u32 $0xF7A, s1;
	s8 =	simm.s32 @!p0 $0x1BF5;
	p2 =	por !p2, p0  }
0x20: {  	[sflag:s8] =	ssyncset.s32 @!p0 $0xFFFFF086;
	s6 =	sadd.s32 @!p0 s3, s7;
	s7 =	simm.s32 @!p0 $0x108  }
0x21: {  	s3 =	sadd.s32 s3, s9;
	s6 =	sadd.s32 @!p0 $0x88, s6;
	s7 =	simm.s32 @p2 $0x1082  }
0x22: {  	[simem:s7], [sflag:s8] =	dma.local @!p0 [hbm:s6], $0xF7A  }
0x23: {  	s9 =	sor.u32 $0xD0000000, s2;
	s6 =	simm.s32 $0x108;
	_ =	swait.ge @!p0 [sflag:s8], $0x0  }
0x24: {  	s3 =	sadd.s32 $0x88, s3;
	s6 =	simm.s32 @!p1 $0x1082;
	[sflag:s4] =	ssyncset.s32 $0xFFFFF086  }
0x25: {  	[simem:s6], [sflag:s4] =	dma.local [hbm:s3], $0xF7A  }
0x26: {  	[smem:$0x3F9F] =	sst s1;
	(tag) =	ssettag s2;
	_ =	strace s9  }
0x27: {  	s1 =	sld [smem:$0x3FAF]  }
0x28: {  	s2 =	sld [smem:$0x3FB0]  }
0x29: {  	s4 =	sld [smem:$0x3FB2]  }
0x2a: {  	p0 =	seq.s32 s5, $0x0;
	s5 =	sld [smem:$0x3FB3]  }
0x2b: {  	s6 =	sld [smem:$0x3FB4]  }
0x2c: {  	s7 =	sld [smem:$0x3FB5]  }
0x2d: {  	s3 =	simm.s32 $0x108;
	s8 =	sld [smem:$0x3FB6]  }
0x2e: {  	s3 =	simm.s32 @!p0 $0x1082;
	s9 =	sld [smem:$0x3FB7]  }
0x2f: {  	lr =	sadd.s32 s0, s3;
	s0 =	sld [smem:$0x3FAE]  }
0x30: {  	s3 =	sld [smem:$0x3FB1]  }
0x31: {  	[smem:$0x3FBA] =	sst s10  }
0x32: {  	s10 =	sld [smem:$0x3FB8];
	_ =	sdelay $0x3  }
0x33: {  	p0 =	seq.s32 s10, $0x1;
	s10 =	sld [smem:$0x3FBA];
	_ =	sdelay $0x3  }
0x34: {  	[smem:$0x3FBA] =	sst s10  }
0x35: {  	s10 =	sld [smem:$0x3FB9];
	_ =	sdelay $0x3  }
0x36: {  	p1 =	seq.s32 s10, $0x1;
	s10 =	sld [smem:$0x3FBA];
	_ =	sdelay $0x3  }
0x37: {  	[smem:$0x3FBA] =	sst s10  }
0x38: {  	s10 =	sld [smem:$0x3FBB]  }
0x39: {  	_ = 	snop;
	(pc) =	sbr.ind lr, $3  }
0x3a: {  	_ = 	snop  }
0x3b: {  	_ = 	snop  }
0x3c: {  	p2 =	seq.s32 s10, $0x1;
	s10 =	sld [smem:$0x3FBA]  }
0x3d: {  	_ =	shalt  }
0x3e: {  	_ =	shalt  }
0x3f: {  	_ =	shalt  }
0x40: {  	_ =	shalt  }
0x41: {  	_ =	shalt  }
0x42: {  	_ =	shalt  }
0x43: {  	_ =	shalt  }
0x44: {  	_ =	shalt  }
0x45: {  	_ =	shalt  }
0x46: {  	_ =	shalt  }
0x47: {  	_ =	shalt  }
0x48: {  	_ =	shalt  }
0x49: {  	_ =	shalt  }
0x4a: {  	_ =	shalt  }
0x4b: {  	_ =	shalt  }
0x4c: {  	_ =	shalt  }
0x4d: {  	_ =	shalt  }
0x4e: {  	_ =	shalt  }
0x4f: {  	_ =	shalt  }
0x50: {  	_ =	shalt  }
0x51: {  	_ =	shalt  }
0x52: {  	_ =	shalt  }
0x53: {  	_ =	shalt  }
0x54: {  	_ =	shalt  }
0x55: {  	_ =	shalt  }
0x56: {  	_ =	shalt  }
0x57: {  	_ =	shalt  }
0x58: {  	_ =	shalt  }
0x59: {  	_ =	shalt  }
0x5a: {  	_ =	shalt  }
0x5b: {  	_ =	shalt  }
0x5c: {  	_ =	shalt  }
0x5d: {  	_ =	shalt  }
0x5e: {  	_ =	shalt  }
0x5f: {  	_ =	shalt  }
0x60: {  	_ =	shalt  }
0x61: {  	_ =	shalt  }
0x62: {  	_ =	shalt  }
0x63: {  	_ =	shalt  }
0x64: {  	_ =	shalt  }
0x65: {  	_ =	shalt  }
0x66: {  	_ =	shalt  }
0x67: {  	_ =	shalt  }
0x68: {  	_ =	shalt  }
0x69: {  	_ =	shalt  }
0x6a: {  	_ =	shalt  }
0x6b: {  	_ =	shalt  }
0x6c: {  	_ =	shalt  }
0x6d: {  	_ =	shalt  }
0x6e: {  	_ =	shalt  }
0x6f: {  	_ =	shalt  }
0x70: {  	_ =	shalt  }
0x71: {  	_ =	shalt  }
0x72: {  	_ =	shalt  }
0x73: {  	_ =	shalt  }
0x74: {  	_ =	shalt  }
0x75: {  	_ =	shalt  }
0x76: {  	_ =	shalt  }
0x77: {  	_ =	shalt  }
0x78: {  	_ =	shalt  }
0x79: {  	_ =	shalt  }
0x7a: {  	_ =	shalt  }
0x7b: {  	_ =	shalt  }
0x7c: {  	_ =	shalt  }
0x7d: {  	_ =	shalt  }
0x7e: {  	_ =	shalt  }
0x7f: {  	_ =	shalt  }
0x80: {  	_ =	shalt  }
0x81: {  	_ =	shalt  }
0x82: {  	_ =	shalt  }
0x83: {  	_ =	shalt  }
0x84: {  	_ =	shalt  }
0x85: {  	_ =	shalt  }
0x86: {  	_ =	shalt  }
0x87: {  	_ =	shalt  }
.Lfunc_end0:
.L_simem_size_0:
called_computation_lowered:
.L_overlay_start_0:
0x88: {  	s2 =	sld [smem:$0x3FD9]  }
0x89: {  	s3 =	sld [smem:$0x3FFE];
	_ =	sdelay $0x1  }
0x8a: {  	s1 =	srdreg.scid  }
0x8b: {  	s0 =	sand.u32 $0x1, s1  }
0x8c: {  	s17 =	sshll.u32 s0, $0xA;
	s2 =	sadd.s32 s3, s2  }
0x8d: {  	s2 =	sadd.s32 s2, s17  }
0x8e: {  	[smem:$0x3FC6] =	sst s2  }
0x8f: {  	_ = 	snop  }
0x90: {  	s2 =	sld [smem:$0x3FD0];
	(tm) =	ssettm $0x1  }
0x91: {  	s18 =	sld [smem:$0x3FFB];
	_ =	sdelay $0x3  }
0x92: {  	_ =	strace s18  }
0x93: {  	s3 =	sld [smem:$0x3FFC];
	_ =	sdelay $0x3  }
0x94: {  	_ =	strace s3  }
0x95: {  	s3 =	sld [smem:$0x3FFD];
	_ =	sdelay $0x3  }
0x96: {  	_ =	strace s3  }
0x97: {  	_ =	strace $0x8FFFFFFF  }
0x98: {  	s19 =	sld [smem:$0x3FDB];
	_ =	sdelay $0x1  }
0x99: {  	s4 =	simm.s32 $_scs_section_size  }
0x9a: {  	s5 =	simm.s32 $_size__tile_overlayer_lowered;
	s6 =	simm.s32 $_tile_overlayer_lowered  }
0x9b: {  	s22 =	simm.s32 $0x1BFF;
	s21 =	sshll.u32 s6, $0x1;
	s3 =	sadd.s32 s4, s19  }
0x9c: {  	s7 =	simm.s32 $0x0;
	s20 =	sshll.u32 s5, $0x1;
	s5 =	sadd.s32 s21, s3  }
0x9d: {  	[timem:s7], [sflag:s22] =	dma.local [hbm:s5], s20  }
0x9e: {  	_ =	swait.ge [sflag:s22], s20  }
0x9f: {  	s4 =	ssub.s32 $0x0, s20;
	[sflag:s22] =	ssyncset.done $0x0  }
0xa0: {  	[sflag:s22] =	ssyncadd.s32 s4;
	_ =	sdelay $0x1  }
0xa1: {  	s23 =	simm.s32 $0x1B8B  }
0xa2: {  	_ =	swait.ge [sflag:s23], $0x1  }
0xa3: {  	[sflag:s23] =	ssyncset.done $0x0  }
0xa4: {  	s25 =	simm.s32 $0x1B8E;
	s24 =	sld [smem:$0x3FFE];
	[sflag:s23] =	ssyncadd.s32 $0xFFFFFFFF  }
0xa5: {  	s26 =	simm.s32 $execute0_lowered;
	[smem:$0x3FD2] =	sst s25  }
0xa6: {  	s5 =	sshll.u32 s26, $0x1;
	_ =	strace $0x80000046;
	[dreg:$0x1] =	wrdreg $0xFFFFFFFF  }
0xa7: {  	s28 =	simm.s32 $_size_execute0_lowered;
	s3 =	sadd.s32 s3, s5;
	[dreg:$0x0] =	wrdreg $0x0  }
0xa8: {  	s5 =	sshll.u32 s28, $0x1;
	[dreg:$0x2] =	wrdreg s3  }
0xa9: {  	[dreg:$0x3] =	wrdreg s5  }
0xaa: {  	[dreg:$0x4] =	wrdreg $0xC0  }
0xab: {  	_ =	task [dreg:s7], $0x5FFFF  }
0xac: {  	[dreg:$0x1] =	wrdreg $0xFFFFFFFF  }
0xad: {  	[dreg:$0x0] =	wrdreg $0x60  }
0xae: {  	[dreg:$0x2] =	wrdreg s2  }
0xaf: {  	[dreg:$0x3] =	wrdreg s24  }
0xb0: {  	[dreg:$0x4] =	wrdreg $0x9  }
0xb1: {  	_ =	task.clear_ibuf [dreg:s7], $0x5FFFF;
	_ =	strace $0x90000046  }
0xb2: {  	s29 =	simm.s32 $0x9;
	_ =	strace $0x80000048  }
0xb3: {  	_ =	swait.ge [sflag:s29], $0x1  }
0xb4: {  	[sflag:s29] =	ssyncadd.s32 $0xFFFFFFFF  }
0xb5: {  	_ =	strace $0x90000048  }
0xb6: {  	_ =	sfence  }
0xb7: {  	s30 =	sld [smem:$0x0];
	_ =	sdelay $0x2  }
0xb8: {  	s31 =	sshll.u32 s1, $0xD;
	s1 =	sshrl.u32 s1, $0x2  }
0xb9: {  	s3 =	sand.u32 $0x4000, s31;
	s1 =	sadd.s32 s1, s30  }
0xba: {  	s0 =	sor.u32 s3, s0;
	s1 =	sshll.u32 s1, $0x11  }
0xbb: {  	s0 =	sor.u32 s1, s0  }
0xbc: {  	s0 =	sadd.s32 $0x8F2B, s0  }
0xbd: {  	[sflag:s0] =	ssyncadd.remote.s32 $0x1  }
0xbe: {  	_ =	sfence.sel $0xFFFF  }
0xbf: {  	[dreg:$0x0] =	wrdreg $0xFFFFFFFF;
	(pc) =	sbr.abs _section_cstart, $3  }
0xc0: {  	[dreg:$0x1] =	wrdreg $0xFFFFFFFF  }
0xc1: {  	_ =	task.clear_ibuf [dreg:s7], $0x2FFFF;
	_ =	strace $0x9FFFFFFF  }
0xc2: {  	(tm) =	ssettm $0x7FFFFFFF  }
0xc3: {  	_ =	shalt  }
tec
execute0_lowered:
.L_overlay_start_1:
0x0: {  	(tag) =	ssettag $0x1  }
0x1: {  	s1 =	rddreg [dreg:$0x0]  }
0x2: {  	s9 =	rddreg [dreg:$0x1]  }
0x3: {  	s0 =	rddreg [dreg:$0x2];
	s3 =	simm.s32 $0x0  }
0x4: {  	s4 =	srdreg.scid;
	s2 =	stileid.u32;
	s13 =	simm.s32 $0x1C280  }
0x5: {  	s14 =	simm.s32 $0x1C300;
	s17 =	simm.s32 $0x10000;
	s18 =	simm.s32 $0x16080  }
0x6: {  	s19 =	simm.s32 $0x2;
	s5 =	sand.u32 $0x1, s4;
	s31 =	sshll.u32 s2, $0x1  }
0x7: {  	s20 =	simm.s32 $0x0;
	s29 =	simm.s32 $0x0;
	s7 =	sor.u32 s5, s31  }
0x8: {  	[smem:$0x7FF] =	sst s3;
	s8 =	ssub.s32 $0x2, s5;
	s5 =	smul.u32 $0xC, s7  }
0x9: {  	s4 =	sadd.s32 $0x400, s9;
	s6 =	sadd.s32 $0xC0400, s9;
	s11 =	smul.u32 $0x30, s7  }
.Ltmp0:
0xa: {  	_ =	strace $0x80000047;
	s10 =	sshrl.u32 s8, $0x1;
	(pc) =	sbr.rel .LBB2_1-.Ltmp0, $4  }
0xb: {  	s7 =	sadd.s32 $0xC0600, s9;
	s9 =	sadd.s32 $0xC03FE, s9;
	s15 =	sand.u32 $0xC, s5  }
0xc: {  	v0 =	vlaneseq.u32;
	s10 =	ssub.s32 s8, s10;
	s8 =	sadd.s32 $0xBFFFE, s1;
	s12 =	sor.u32 $0x1, s15;
	v2 =	vmov s15  }
0xd: {  	s16 =	sand.u32 $0x7C0, s11;
	s10 =	smax.u32 s10, $0x1;
	s11 =	simm.s32 $0x1C080;
	v1 =	vmov s12;
	vm1 =	veq.s32 v2, v0  }
0xe: {  	s15 =	sshrl.u32 s16, $0x2;
	s16 =	simm.s32 $0x1;
	s12 =	simm.s32 $0x3;
	v2 =	vimm.f32 $0.0e+00;
	vm0 =	veq.s32 v1, v0;
	v1 =	vimm.s32 $0xFFFFFFFF  }
.LBB2_13:
0xf: {  	s20 =	sadd.s32 $0x1, s20  }
0x10: {  	_ =	swait.ge [sflag:s16], $0x6010;
	p0 =	sne.s32 s20, s10  }
.Ltmp1:
0x11: {  	[sflag:s16] =	ssyncset.done $0x0;
	(pc) =	sbr.rel @!p0 .LBB2_14-.Ltmp1, $4  }
0x12: {  	[sflag:s16] =	ssyncadd.s32 $0xFFFF9FF0  }
0x13: {  	_ =	swait.ge [sflag:s19], $0x6000  }
0x14: {  	[sflag:s19] =	ssyncset.done $0x0  }
0x15: {  	[sflag:s19] =	ssyncadd.s32 $0xFFFFA000  }
.LBB2_1:
0x16: {  	[tilespmem:s11], [sflag:$0x3] =	stream.linear.gather [hbm4b:s6+s3], $0x200, $0x38;
	[tilespmem:$0x1C380] =	vst v63  }
0x17: {  	_ =	swait.ge [sflag:s12], $0x200  }
0x18: {  	[sflag:s12] =	ssyncset.done $0x0  }
0x19: {  	[sflag:s12] =	ssyncadd.s32 $0xFFFFFE00  }
0x1a: {  	[tilespmem:s13], [sflag:$0x3] =	stream.linear.gather [hbm4b:s8+s3], $0x10, $0x38;
	[tilespmem:$0x1C380] =	vst v63  }
0x1b: {  	_ =	swait.ge [sflag:s12], $0x10  }
0x1c: {  	[sflag:s12] =	ssyncset.done $0x0  }
0x1d: {  	[sflag:s12] =	ssyncadd.s32 $0xFFFFFFF0  }
0x1e: {  	[tilespmem:s14], [sflag:$0x3] =	stream.linear.gather [hbm4b:s9+s3], $0x10, $0x38;
	[tilespmem:$0x1C380] =	vst v63  }
0x1f: {  	_ =	swait.ge [sflag:s12], $0x10  }
0x20: {  	[sflag:s12] =	ssyncset.done $0x0  }
0x21: {  	[sflag:s12] =	ssyncadd.s32 $0xFFFFFFF0  }
0x22: {  	[tilespmem:$0x1C290] =	vst v1  }
0x23: {  	v3 =	vld [tilespmem:s15+$0x1C080];
	_ =	sdelay $0x4  }
0x24: {  	v3 =	vxor.u32 $0x80000000, v3  }
0x25: {  	v4 =	vnsel vm1, $0x7FFFFFFF, v3  }
0x26: {  	(xrf0) =	vmax.scan.msk.u32 $0xffff, v4;
	_ =	sdelay $0x5  }
0x27: {  	v4, _, _ =	vpop (xrf0)  }
0x28: {  	(v2sf) =	vpush v4, $0xF;
	_ =	sdelay $0x8  }
0x29: {  	v3 =	vnsel vm0, $0x7FFFFFFF, v3  }
0x2a: {  	(xrf0) =	vmax.scan.msk.u32 $0xffff, v3;
	_ =	sdelay $0x4  }
0x2b: {  	s21 =	spop (v2sf)  }
0x2c: {  	v3, _, _ =	vpop (xrf0);
	s22 =	sxor.u32 $0x80000000, s21  }
0x2d: {  	(v2sf) =	vpush v3, $0xF;
	p1 =	sgt.s32 s21, $0xFFFFFFFF;
	s21 =	sand.u32 $0xF, s21;
	p0 =	slt.s32 s22, $0x1  }
0x2e: {  	s23 =	sshra.s32 s22, $0x1F;
	p6 =	sne.s32 s21, $0x0;
	p0 =	por p1, p0  }
0x2f: {  	s30 =	sshrl.u32 s23, $0x1C;
	p0 =	por !p6, !p0  }
0x30: {  	s21 =	sadd.s32 s30, s22;
	s22 =	simm.s32 $0x1;
	p0 =	por !p0, !p0  }
0x31: {  	s21 =	sshrl.u32 s21, $0x4;
	s22 =	simm.s32 @!p0 $0x0  }
0x32: {  	s21 =	ssub.s32 s21, s22  }
0x33: {  	s22 =	sshll.u32 s21, $0x4  }
0x34: {  	p0 =	sgt.s32 s22, $0x0;
	s21 =	smov.u32 s22  }
0x35: {  	s21 =	simm.s32 @!p0 $0x0  }
0x36: {  	s21 =	smin.u32 s21, $0x5F9FF0  }
0x37: {  	s21 =	sshrl.u32 s21, $0x3  }
.Ltmp2:
0x38: {  	s31 =	sadd.s32 s1, s21;
	(pc) =	sbr.rel .LBB2_2-.Ltmp2, $4  }
0x39: {  	[tilespmem:s17], [sflag:$0x1] =	stream.linear.gather [hbm4b:s31+s3], $0x6010, $0x38;
	[tilespmem:$0x1C380] =	vst v63  }
0x3a: {  	s21 =	sadd.s32 s4, s21  }
0x3b: {  	[tilespmem:s18], [sflag:$0x2] =	stream.linear.gather [hbm4b:s21+s3], $0x6000, $0x38;
	[tilespmem:$0x1C380] =	vst v63  }
0x3c: {  	s23 =	spop (v2sf);
	s21 =	simm.s32 $0x0  }
.LBB2_12:
0x3d: {  	v3 =	vld [tilespmem:$0x1C280]  }
0x3e: {  	v5 =	vld [tilespmem:$0x1C281];
	_ =	sdelay $0x3  }
0x3f: {  	v6 =	vshra.s32 v3, $0x10  }
0x40: {  	vm2 =	vne.s32 v3, v5;
	vm3 =	veq.s32 v6, v4  }
0x41: {  	vm2 =	vmand vm2, vm3  }
0x42: {  	v61 =	vld [tilespmem:$0x1C300];
	v3 =	vand.u32 $0xFFFF, v3;
	_ =	sdelay $0x3  }
0x43: {  	s22 =	sadd.s32 $0x1, s23  }
0x44: {  	s24 =	sand.u32 $0x1FFFFFF0, s22;
	[tilespmem:v3+s3+$0x0] =	vst.idx.msk vm2, v61  }
0x45: {  	v3 =	vld [tilespmem:s24+$0x1C080];
	_ =	sdelay $0x2  }
0x46: {  	s22 =	sand.u32 $0xF, s22  }
0x47: {  	v62 =	vmov s22  }
0x48: {  	vm2 =	veq.s32 v62, v0;
	v3 =	vxor.u32 $0x80000000, v3  }
0x49: {  	v3 =	vnsel vm2, $0x7FFFFFFF, v3  }
0x4a: {  	(xrf0) =	vmax.scan.msk.u32 $0xffff, v3;
	_ =	sdelay $0x5  }
0x4b: {  	v3, _, _ =	vpop (xrf0)  }
0x4c: {  	(v2sf) =	vpush v3, $0xF  }
0x4d: {  	s30 =	sadd.s32 $0x2, s23  }
0x4e: {  	s31 =	sand.u32 $0x1FFFFFF0, s30  }
0x4f: {  	v3 =	vld [tilespmem:s31+$0x1C080];
	_ =	sdelay $0x2  }
0x50: {  	s22 =	sand.u32 $0xF, s30  }
0x51: {  	v63 =	vmov s22  }
0x52: {  	vm2 =	veq.s32 v63, v0;
	v3 =	vxor.u32 $0x80000000, v3  }
0x53: {  	v3 =	vnsel vm2, $0x7FFFFFFF, v3  }
0x54: {  	(xrf0) =	vmax.scan.msk.u32 $0xffff, v3;
	_ =	sdelay $0x4  }
0x55: {  	s25 =	spop (v2sf)  }
0x56: {  	v3, _, _ =	vpop (xrf0);
	s26 =	sxor.u32 $0x80000000, s25  }
0x57: {  	(v2sf) =	vpush v3, $0xF;
	p1 =	sgt.s32 s25, $0xFFFFFFFF;
	s22 =	sand.u32 $0xF, s25;
	p0 =	slt.s32 s26, $0x1  }
0x58: {  	s25 =	sshra.s32 s26, $0x1F;
	p6 =	sne.s32 s22, $0x0;
	p0 =	por p1, p0  }
0x59: {  	s28 =	sshrl.u32 s25, $0x1C;
	p0 =	por !p6, !p0  }
0x5a: {  	s24 =	simm.s32 $0x1;
	s22 =	sadd.s32 s28, s26;
	p0 =	por !p0, !p0  }
0x5b: {  	s22 =	sshrl.u32 s22, $0x4;
	s24 =	simm.s32 @!p0 $0x0  }
0x5c: {  	s22 =	ssub.s32 s22, s24  }
0x5d: {  	s22 =	sshll.u32 s22, $0x4  }
0x5e: {  	p0 =	sgt.s32 s22, $0x0;
	s24 =	smov.u32 s22  }
0x5f: {  	s24 =	simm.s32 @!p0 $0x0  }
0x60: {  	s24 =	smin.u32 s24, $0x5F9FF0  }
0x61: {  	s24 =	sshrl.u32 s24, $0x3  }
0x62: {  	s21 =	sadd.s32 $0x1, s21;
	s30 =	sadd.s32 s1, s24  }
0x63: {  	[tilespmem:s17], [sflag:$0x1] =	stream.linear.gather [hbm4b:s30+s3], $0x6010, $0x38;
	[tilespmem:$0x1C380] =	vst v63  }
0x64: {  	s31 =	sshll.u32 s23, $0xD;
	p0 =	sne.s32 s21, $0xC;
	s24 =	sadd.s32 s4, s24  }
0x65: {  	[tilespmem:s18], [sflag:$0x2] =	stream.linear.gather [hbm4b:s24+s3], $0x6000, $0x38;
	[tilespmem:$0x1C380] =	vst v63  }
.Ltmp3:
0x66: {  	s23 =	spop (v2sf);
	s24 =	sadd.s32 s7, s31;
	(pc) =	sbr.rel @!p0 .LBB2_13-.Ltmp3, $4  }
0x67: {  	[hbm4b:s24+s3] =	stream.linear.scatter [tilespmem:s3], [sflag:$0x3], $0x10000, $0x38;
	[tilespmem:$0x1C380] =	vst v63  }
0x68: {  	_ =	swait.ge [sflag:s12], $0x10000  }
0x69: {  	[sflag:s12] =	ssyncset.done $0x0  }
0x6a: {  	[sflag:s12] =	ssyncadd.s32 $0xFFFF0000  }
.LBB2_2:
0x6b: {  	s24 =	simm.s32 $0x40  }
0x6c: {  	[tilespmem:s24+$0xFFFFFFC0] =	vst v2  }
0x6d: {  	[tilespmem:s24+$0x30] =	vst v2  }
0x6e: {  	[tilespmem:s24+$0x20] =	vst v2  }
0x6f: {  	[tilespmem:s24+$0x10] =	vst v2  }
0x70: {  	[tilespmem:s24+$0x0] =	vst v2  }
0x71: {  	[tilespmem:s24+$0xFFFFFFF0] =	vst v2  }
0x72: {  	s25 =	simm.s32 $0x0;
	[tilespmem:s24+$0xFFFFFFE0] =	vst v2  }
.LBB2_3:
0x73: {  	s25 =	sadd.s32 $0x8, s25;
	[tilespmem:s24+$0xFFFFFFD0] =	vst v2;
	s24 =	sadd.s32 $0x80, s24  }
0x74: {  	[tilespmem:s24+$0xFFFFFFC0] =	vst v2;
	p0 =	slt.u32 s25, $0xFF8  }
0x75: {  	[tilespmem:s24+$0x30] =	vst v2  }
.Ltmp4:
0x76: {  	[tilespmem:s24+$0x20] =	vst v2;
	(pc) =	sbr.rel @p0 .LBB2_3-.Ltmp4, $4  }
0x77: {  	[tilespmem:s24+$0x10] =	vst v2  }
0x78: {  	[tilespmem:s24+$0x0] =	vst v2  }
0x79: {  	[tilespmem:s24+$0xFFFFFFF0] =	vst v2  }
0x7a: {  	[tilespmem:s24+$0xFFFFFFE0] =	vst v2  }
0x7b: {  	s23 =	sxor.u32 $0x80000000, s23  }
0x7c: {  	s23 =	ssub.s32 s23, s22  }
0x7d: {  	s25 =	sadd.s32 $0x5FFF, s23  }
0x7e: {  	s26 =	smulhi.u32 $0x2AAAAAAB, s25;
	s28 =	sshra.s32 s25, $0x1F  }
0x7f: {  	s28 =	smul.u32 $0x2AAAAAAB, s28;
	_ =	sdelay $0x1  }
0x80: {  	s26 =	sadd.s32 s28, s26  }
0x81: {  	s28 =	sshrl.u32 s26, $0x1F;
	s26 =	sshra.s32 s26, $0xC  }
0x82: {  	s26 =	sadd.s32 s28, s26  }
0x83: {  	s28 =	smul.u32 $0xFFFFA000, s26  }
0x84: {  	s23 =	ssub.s32 $0xFFFFA001, s23  }
0x85: {  	p0 =	slt.s32 s25, $0x1;
	p1 =	sne.s32 s28, s23  }
0x86: {  	p0 =	por !p0, !p1  }
0x87: {  	s23 =	simm.s32 $0x1;
	p0 =	por !p0, !p0  }
0x88: {  	s23 =	simm.s32 @!p0 $0x0  }
0x89: {  	[tilespmem:s24+$0xFFFFFFD0] =	vst v2;
	s24 =	ssub.s32 s26, s23  }
0x8a: {  	_ =	swait.ge [sflag:s16], $0x6010;
	p0 =	slt.s32 s24, $0x1  }
.Ltmp5:
0x8b: {  	[sflag:s16] =	ssyncset.done $0x0;
	(pc) =	sbr.rel @p0 .LBB2_12-.Ltmp5, $4  }
0x8c: {  	[sflag:s16] =	ssyncadd.s32 $0xFFFF9FF0  }
0x8d: {  	_ =	swait.ge [sflag:s19], $0x6000  }
0x8e: {  	[sflag:s19] =	ssyncset.done $0x0;
	s23 =	sadd.s32 s5, s21  }
0x8f: {  	[sflag:s19] =	ssyncadd.s32 $0xFFFFA000;
	v4 =	vmov s23  }
0x90: {  	v3 =	vmov s23;
	s25 =	simm.s32 $0x0;
	s26 =	simm.s32 $0x40  }
.LBB2_6:
0x91: {  	p0 =	sne.s32 s26, $0x17FC0;
	v5 =	vld [tilespmem:s25+$0x10000]  }
0x92: {  	v6 =	vld [tilespmem:s25+$0x10001];
	_ =	sdelay $0x3  }
0x93: {  	v7 =	vshra.s32 v5, $0x10  }
0x94: {  	vm2 =	vne.s32 v5, v6;
	vm3 =	veq.s32 v7, v3  }
0x95: {  	vm2 =	vmand vm2, vm3  }
0x96: {  	v5 =	vand.u32 $0xFFFF, v5;
	v6 =	vld [tilespmem:s25+$0x16080]  }
.Ltmp6:
0x97: {  	(pc) =	sbr.rel @p0 .LBB2_6-.Ltmp6, $2  }
0x98: {  	_ =	sdelay $0x2  }
0x99: {  	s25 =	sshra.s32 s26, $0x2;
	s26 =	sadd.s32 $0x40, s26;
	[tilespmem:v5+s3+$0x0] =	vst.idx.msk vm2, v6  }
0x9a: {  	v5 =	vld [tilespmem:s25+$0x10000]  }
0x9b: {  	v6 =	vld [tilespmem:s25+$0x10001];
	_ =	sdelay $0x3  }
0x9c: {  	v7 =	vshra.s32 v5, $0x10  }
0x9d: {  	vm2 =	vne.s32 v5, v6;
	vm3 =	veq.s32 v7, v3  }
0x9e: {  	vm2 =	vmand vm2, vm3  }
0x9f: {  	p0 =	sne.s32 s24, $0x1;
	v6 =	vld [tilespmem:s25+$0x16080];
	v5 =	vand.u32 $0xFFFF, v5  }
.Ltmp7:
0xa0: {  	_ = 	snop;
	(pc) =	sbr.rel @!p0 .LBB2_12-.Ltmp7, $2  }
0xa1: {  	_ =	sdelay $0x2  }
0xa2: {  	s25 =	simm.s32 $0x1;
	[tilespmem:v5+s3+$0x0] =	vst.idx.msk vm2, v6  }
.LBB2_8:
0xa3: {  	s26 =	smul.u32 $0x6000, s25;
	_ =	sdelay $0x1  }
0xa4: {  	s26 =	sadd.s32 s22, s26  }
0xa5: {  	p0 =	sgt.s32 s26, $0x0  }
0xa6: {  	s26 =	simm.s32 @!p0 $0x0  }
0xa7: {  	s26 =	smin.u32 s26, $0x5F9FF0  }
0xa8: {  	s26 =	sshrl.u32 s26, $0x3  }
0xa9: {  	s28 =	sadd.s32 s1, s26  }
0xaa: {  	[tilespmem:s17], [sflag:$0x3] =	stream.linear.gather [hbm4b:s28+s29], $0x6010, $0x38;
	[tilespmem:$0x1C380] =	vst v63  }
0xab: {  	_ =	swait.ge [sflag:s12], $0x6010  }
0xac: {  	[sflag:s12] =	ssyncset.done $0x0  }
0xad: {  	s26 =	sadd.s32 s4, s26;
	[sflag:s12] =	ssyncadd.s32 $0xFFFF9FF0  }
0xae: {  	[tilespmem:s18], [sflag:$0x3] =	stream.linear.gather [hbm4b:s26+s29], $0x6000, $0x38;
	[tilespmem:$0x1C380] =	vst v63  }
0xaf: {  	_ =	swait.ge [sflag:s12], $0x6000  }
0xb0: {  	[sflag:s12] =	ssyncset.done $0x0  }
0xb1: {  	s28 =	simm.s32 $0x40;
	s26 =	simm.s32 $0x0;
	[sflag:s12] =	ssyncadd.s32 $0xFFFFA000  }
.LBB2_9:
0xb2: {  	p0 =	sne.s32 s28, $0x17FC0;
	v4 =	vld [tilespmem:s26+$0x10000]  }
0xb3: {  	v5 =	vld [tilespmem:s26+$0x10001];
	_ =	sdelay $0x3  }
0xb4: {  	v6 =	vshra.s32 v4, $0x10  }
0xb5: {  	vm2 =	vne.s32 v4, v5;
	vm3 =	veq.s32 v6, v3  }
0xb6: {  	vm2 =	vmand vm2, vm3  }
0xb7: {  	v4 =	vand.u32 $0xFFFF, v4;
	v5 =	vld [tilespmem:s26+$0x16080]  }
.Ltmp8:
0xb8: {  	(pc) =	sbr.rel @p0 .LBB2_9-.Ltmp8, $2  }
0xb9: {  	_ =	sdelay $0x2  }
0xba: {  	s26 =	sshra.s32 s28, $0x2;
	s28 =	sadd.s32 $0x40, s28;
	[tilespmem:v4+s3+$0x0] =	vst.idx.msk vm2, v5  }
0xbb: {  	v4 =	vld [tilespmem:s26+$0x10000]  }
0xbc: {  	v5 =	vld [tilespmem:s26+$0x10001];
	_ =	sdelay $0x3  }
0xbd: {  	v6 =	vshra.s32 v4, $0x10  }
0xbe: {  	vm2 =	vne.s32 v4, v5;
	vm3 =	veq.s32 v6, v3  }
0xbf: {  	s25 =	sadd.s32 $0x1, s25;
	vm2 =	vmand vm2, vm3  }
0xc0: {  	p0 =	sne.s32 s25, s24;
	v5 =	vld [tilespmem:s26+$0x16080];
	v4 =	vand.u32 $0xFFFF, v4  }
.Ltmp9:
0xc1: {  	_ = 	snop;
	(pc) =	sbr.rel @p0 .LBB2_8-.Ltmp9, $2  }
0xc2: {  	_ =	sdelay $0x2  }
0xc3: {  	[tilespmem:v4+s3+$0x0] =	vst.idx.msk vm2, v5  }
.Ltmp10:
0xc4: {  	(pc) =	sbr.rel .LBB2_12-.Ltmp10, $2  }
0xc5: {  	_ =	sdelay $0x2  }
0xc6: {  	v4 =	vmov v3  }
.LBB2_14:
0xc7: {  	_ =	sfence.sel $0x180000  }
0xc8: {  	[bflag:$0x0] =	sbarrier.arrive $0xFFFF  }
0xc9: {  	p0 =	sne.s32 s2, $0x0;
	_ =	strace $0x90000047  }
0xca: {  	s0 =	sadd.s32 @!p0 $0x100000, s0;
	[bflag:$0x2] =	sbarrier.arrive $0xFFFF  }
0xcb: {  	[sflag:s0] =	ssyncadd.tile.s32 @!p0 $0x1;
	_ =	shalt  }
.Lfunc_end2:
_tile_overlayer_lowered:
.L_overlay_start_2:
0xcc: {  	(tag) =	ssettag $0x2  }
0xcd: {  	s0 =	rddreg [dreg:$0x0];
	s2 =	stileid.u32  }
0xce: {  	s1 =	rddreg [dreg:$0x1];
	p0 =	sne.s32 s2, $0x0  }
0xcf: {  	s3 =	rddreg [dreg:$0x2];
	[bflag:$0x3] =	sbarrier.arrive $0xFFFF;
	s2 =	simm.s32 @!p0 $0x1C03  }
0xd0: {  	[timem:s3], [sflag:s2] =	dma.local @!p0 [hbm:s0], s1  }
0xd1: {  	s0 =	simm.s32 @!p0 $0x3  }
0xd2: {  	_ =	swait.ge @!p0 [sflag:s0], s1  }
0xd3: {  	s1 =	ssub.s32 @!p0 $0x0, s1;
	[sflag:s0] =	ssyncset.done @!p0 $0x0  }
0xd4: {  	[sflag:s0] =	ssyncadd.s32 @!p0 s1  }
0xd5: {  	[bflag:$0x3] =	sbarrier.arrive $0xFFFF  }
0xd6: {  	_ =	shalt  }

</sc_bundles>
